<compile_context>
chip_gen: v7x
topology: tpu7x:2x2x1
jax: 0.10.2.dev20260603
libtpu: 0.0.44.dev20260713+nightly
codegen_flags: <defaults>
</compile_context>

<pallas_src>
import functools

import jax
import jax.numpy as jnp
import numpy as np
from jax import lax
from jax.experimental import pallas as pl
from jax.experimental.pallas import tpu as pltpu
from jax.experimental.pallas import tpu_sc as plsc

_VOCAB = 100000
_D = 1024
_HALF = 512
_B = 16
_S = 512
_BASE = 10000.0
_N = _B * _S
_NC, _NS, _LANES = 2, 16, 16
_NW = _NC * _NS
_RPW = _N // _NW
_CH = 32
_NCH = _RPW // _CH
_NBUF = 3


def _rotate_chunk(buf, csv):
    def group(j, carry):
        jb = j * _LANES
        sl_e = pl.ds(jb, _LANES)
        sl_o = pl.ds(_HALF + jb, _LANES)
        c = csv[0, sl_e]
        s = csv[1, sl_e]

        @plsc.parallel_loop(0, _CH, unroll=4)
        def _row(r):
            e = buf[r, sl_e]
            o = buf[r, sl_o]
            buf[r, sl_e] = e * c - o * s
            buf[r, sl_o] = e * s + o * c

        return carry

    lax.fori_loop(0, _HALF // _LANES, group, 0)


def _body(table_hbm, idx_hbm, cs_hbm, out_hbm,
          idx_v, csv, b0, b1, b2, g0, g1, g2, w0, w1, w2):
    bufs = (b0, b1, b2)
    gsem = (g0, g1, g2)
    wsem = (w0, w1, w2)
    wid = lax.axis_index("s") * _NC + lax.axis_index("c")
    base = wid * _RPW
    pltpu.sync_copy(idx_hbm.at[wid], idx_v)
    pltpu.sync_copy(cs_hbm, csv)

    gcp = [None] * _NCH
    wcp = [None] * _NCH
    for i in range(_NBUF):
        gcp[i] = pltpu.async_copy(table_hbm.at[idx_v.at[i]], bufs[i], gsem[i])
    for i in range(_NCH):
        b = i % _NBUF
        gcp[i].wait()
        _rotate_chunk(bufs[b], csv)
        wcp[i] = pltpu.async_copy(
            bufs[b], out_hbm.at[pl.ds(base + i * _CH, _CH)], wsem[b])
        nxt = i + 2
        if i >= 1 and nxt < _NCH:
            wcp[i - 1].wait()
            gcp[nxt] = pltpu.async_copy(
                table_hbm.at[idx_v.at[nxt]], bufs[nxt % _NBUF],
                gsem[nxt % _NBUF])
    for i in range(_NCH - _NBUF, _NCH):
        wcp[i].wait()


@functools.cache
def _sc_lookup():
    return pl.kernel(
        _body,
        mesh=plsc.VectorSubcoreMesh(core_axis_name="c", subcore_axis_name="s"),
        out_type=jax.ShapeDtypeStruct((_N, _D), jnp.float32),
        scratch_types=[
            pltpu.VMEM((_NCH, _CH), jnp.int32),
            pltpu.VMEM((2, _HALF), jnp.float32),
            pltpu.VMEM((_CH, _D), jnp.float32),
            pltpu.VMEM((_CH, _D), jnp.float32),
            pltpu.VMEM((_CH, _D), jnp.float32),
            pltpu.SemaphoreType.DMA,
            pltpu.SemaphoreType.DMA,
            pltpu.SemaphoreType.DMA,
            pltpu.SemaphoreType.DMA,
            pltpu.SemaphoreType.DMA,
            pltpu.SemaphoreType.DMA,
        ],
    )


@functools.cache
def _cos_sin():
    fi = np.arange(_HALF, dtype=np.float64)
    freqs = 1.0 / (_BASE ** (np.float32(fi / _D).astype(np.float64)))
    pos = np.arange(_S, dtype=np.float64)
    ang = np.float32(freqs).astype(np.float64) * pos
    cs = np.stack([np.cos(ang), np.sin(ang)]).astype(np.float32)
    return jnp.asarray(cs)


def kernel(x, table):
    idx = x.reshape(_NW, _NCH, _CH).astype(jnp.int32)
    cs = _cos_sin()
    out = _sc_lookup()(table, idx, cs)
    return out.reshape(_B, _S, _D)

# --- scband reference (transcript-rebuilt; emitter-appended) ---
"""Pipeline reference for scband-embedding-60327110639932 (READ-ONLY COPY).

The authoritative reference and input builder live on the scoring server;
editing this copy changes nothing except your own understanding.
"""

import jax, jax.numpy as jnp
import numpy as np

VOCAB = 100000
EMBED_DIM = 1024
BATCH = 16
SEQ = 512  # must equal EMBED_DIM // 2 for the original broadcast to work
BASE = 10000


def setup_inputs(seed: int = 0) -> dict:
    key = jax.random.key(seed)
    k_idx, k_tab = jax.random.split(key)
    x = jax.random.randint(k_idx, (BATCH, SEQ), 0, VOCAB, dtype=jnp.int64 if jax.config.read('jax_enable_x64') else jnp.int32)
    table = jax.random.normal(k_tab, (VOCAB, EMBED_DIM), dtype=jnp.float32)
    return {"x": x, "table": table}


def _rotary(inp):
    batch_size, context_length, dimension = inp.shape
    half_dimension = dimension // 2
    freqs_indices = jnp.arange(0, half_dimension, dtype=jnp.float32)
    freqs = 1.0 / (BASE ** (freqs_indices / dimension))
    positions = jnp.arange(0, context_length, dtype=jnp.float32)
    # Faithful to the torch code: elementwise product, requires context_length == half_dimension
    angles = positions * freqs
    sin_angles = jnp.sin(angles)
    cos_angles = jnp.cos(angles)
    input_even = inp[:, :, :half_dimension]
    input_odd = inp[:, :, half_dimension:]
    input_even_rotated = input_even * cos_angles - input_odd * sin_angles
    input_odd_rotated = input_even * sin_angles + input_odd * cos_angles
    return jnp.concatenate([input_even_rotated, input_odd_rotated], axis=-1)


def reference(x, table):
    emb = jnp.take(table, x, axis=0)  # embedding gather
    return _rotary(emb)

if __name__ == "__main__":
    import jax
    _d = setup_inputs()
    print(jax.jit(kernel)(*tuple(_d.values())))

</pallas_src>

<mosaic_0001>
#map = affine_map<(d0, d1) -> (0, 0)>
#map1 = affine_map<(d0, d1) -> (0, 0, 0)>
module attributes {stable_mosaic.version = 14 : i64} {
  func.func @_body(%arg0: i32, %arg1: i32, %arg2: memref<100000x1024xf32, #tpu.memory_space<hbm>>, %arg3: memref<32x8x32xi32, #tpu.memory_space<hbm>>, %arg4: memref<2x512xf32, #tpu.memory_space<hbm>>, %arg5: memref<8192x1024xf32, #tpu.memory_space<hbm>>, %arg6: memref<8x32xi32, #tpu.memory_space<vmem>>, %arg7: memref<2x512xf32, #tpu.memory_space<vmem>>, %arg8: memref<32x1024xf32, #tpu.memory_space<vmem>>, %arg9: memref<32x1024xf32, #tpu.memory_space<vmem>>, %arg10: memref<32x1024xf32, #tpu.memory_space<vmem>>, %arg11: memref<!tpu.dma_semaphore, #tpu.memory_space<semaphore_mem>>, %arg12: memref<!tpu.dma_semaphore, #tpu.memory_space<semaphore_mem>>, %arg13: memref<!tpu.dma_semaphore, #tpu.memory_space<semaphore_mem>>, %arg14: memref<!tpu.dma_semaphore, #tpu.memory_space<semaphore_mem>>, %arg15: memref<!tpu.dma_semaphore, #tpu.memory_space<semaphore_mem>>, %arg16: memref<!tpu.dma_semaphore, #tpu.memory_space<semaphore_mem>>) attributes {dimension_semantics = [#tpu.dimension_semantics<core_parallel>, #tpu.dimension_semantics<subcore_parallel>], iteration_bounds = array<i64: 2, 16>, scalar_prefetch = 0 : i64, scratch_operands = 11 : i64, tpu.core_type = #tpu.core_type<sc_vector_subcore>, window_params = [{transform_indices = #map}, {transform_indices = #map1}, {transform_indices = #map}, {transform_indices = #map}]} {
    %mul3A = arith.constant 2 : i32
    %mul3A_0 = arith.muli %arg1, %mul3A : i32
    %add3A = arith.addi %mul3A_0, %arg0 : i32
    %mul3A_1 = arith.constant 256 : i32
    %mul3A_2 = arith.muli %add3A, %mul3A_1 : i32
    "tpu.region"() ({
      %run_scoped3A = tpu.sem_alloc : memref<!tpu.dma_semaphore, #tpu.memory_space<semaphore_mem>>
      %dma_start3A_240 = arith.constant 0 : i32
      %dma_start3A_241 = arith.constant 0 : i32
      %dma_start3A_242 = tpu.memref_slice %arg3[%add3A, %dma_start3A_240, %dma_start3A_241] : memref<32x8x32xi32, #tpu.memory_space<hbm>> -> memref<1x8x32xi32, #tpu.memory_space<hbm>>
      %dma_start3A_243 = tpu.memref_squeeze %dma_start3A_242 : memref<1x8x32xi32, #tpu.memory_space<hbm>> -> memref<8x32xi32, #tpu.memory_space<hbm>>
      %dma_start3A_244 = arith.constant 0 : i32
      %dma_start3A_245 = arith.constant 0 : i32
      %dma_start3A_246 = tpu.memref_slice %arg3[%add3A, %dma_start3A_244, %dma_start3A_245] : memref<32x8x32xi32, #tpu.memory_space<hbm>> -> memref<1x8x32xi32, #tpu.memory_space<hbm>>
      %dma_start3A_247 = tpu.memref_squeeze %dma_start3A_246 : memref<1x8x32xi32, #tpu.memory_space<hbm>> -> memref<8x32xi32, #tpu.memory_space<hbm>>
      tpu.enqueue_dma source(%dma_start3A_247 : memref<8x32xi32, #tpu.memory_space<hbm>>) target(%arg6 : memref<8x32xi32, #tpu.memory_space<vmem>>) target_semaphore(%run_scoped3A : memref<!tpu.dma_semaphore, #tpu.memory_space<semaphore_mem>>)
      %dma_wait3A_248 = arith.constant 0 : i32
      %dma_wait3A_249 = arith.constant 0 : i32
      %dma_wait3A_250 = tpu.memref_slice %arg3[%add3A, %dma_wait3A_248, %dma_wait3A_249] : memref<32x8x32xi32, #tpu.memory_space<hbm>> -> memref<1x8x32xi32, #tpu.memory_space<hbm>>
      %dma_wait3A_251 = tpu.memref_squeeze %dma_wait3A_250 : memref<1x8x32xi32, #tpu.memory_space<hbm>> -> memref<8x32xi32, #tpu.memory_space<hbm>>
      %dma_wait3A_252 = arith.constant 0 : i32
      %dma_wait3A_253 = arith.constant 0 : i32
      %dma_wait3A_254 = tpu.memref_slice %arg3[%add3A, %dma_wait3A_252, %dma_wait3A_253] : memref<32x8x32xi32, #tpu.memory_space<hbm>> -> memref<1x8x32xi32, #tpu.memory_space<hbm>>
      %dma_wait3A_255 = tpu.memref_squeeze %dma_wait3A_254 : memref<1x8x32xi32, #tpu.memory_space<hbm>> -> memref<8x32xi32, #tpu.memory_space<hbm>>
      tpu.wait_dma2 semaphore(%run_scoped3A : memref<!tpu.dma_semaphore, #tpu.memory_space<semaphore_mem>>) src(%dma_wait3A_255 : memref<8x32xi32, #tpu.memory_space<hbm>>) dst(%arg6 : memref<8x32xi32, #tpu.memory_space<vmem>>)
      tpu.yield
    }) : () -> ()
    "tpu.region"() ({
      %run_scoped3A = tpu.sem_alloc : memref<!tpu.dma_semaphore, #tpu.memory_space<semaphore_mem>>
      tpu.enqueue_dma source(%arg4 : memref<2x512xf32, #tpu.memory_space<hbm>>) target(%arg7 : memref<2x512xf32, #tpu.memory_space<vmem>>) target_semaphore(%run_scoped3A : memref<!tpu.dma_semaphore, #tpu.memory_space<semaphore_mem>>)
      tpu.wait_dma2 semaphore(%run_scoped3A : memref<!tpu.dma_semaphore, #tpu.memory_space<semaphore_mem>>) src(%arg4 : memref<2x512xf32, #tpu.memory_space<hbm>>) dst(%arg7 : memref<2x512xf32, #tpu.memory_space<vmem>>)
      tpu.yield
    }) : () -> ()
    %dma_start3A = arith.constant 0 : i32
    %dma_start3A_3 = arith.constant 0 : i32
    %dma_start3A_4 = tpu.memref_slice %arg6[%dma_start3A, %dma_start3A_3] : memref<8x32xi32, #tpu.memory_space<vmem>> -> memref<1x32xi32, #tpu.memory_space<vmem>>
    %dma_start3A_5 = tpu.memref_squeeze %dma_start3A_4 : memref<1x32xi32, #tpu.memory_space<vmem>> -> memref<32xi32, #tpu.memory_space<vmem>>
    %dma_start3A_6 = arith.constant 0 : i32
    %dma_start3A_7 = arith.constant 0 : i32
    %dma_start3A_8 = tpu.memref_slice %arg2[%dma_start3A_6, %dma_start3A_7] : memref<100000x1024xf32, #tpu.memory_space<hbm>> -> memref<100000x1024xf32, #tpu.memory_space<hbm>>
    tpu.enqueue_indirect_dma source(%dma_start3A_8 : memref<100000x1024xf32, #tpu.memory_space<hbm>>) target(%arg8 : memref<32x1024xf32, #tpu.memory_space<vmem>>) offsets(%dma_start3A_5 : memref<32xi32, #tpu.memory_space<vmem>>) semaphore(%arg11 : memref<!tpu.dma_semaphore, #tpu.memory_space<semaphore_mem>>)
    %dma_start3A_9 = arith.constant 1 : i32
    %dma_start3A_10 = arith.constant 0 : i32
    %dma_start3A_11 = tpu.memref_slice %arg6[%dma_start3A_9, %dma_start3A_10] : memref<8x32xi32, #tpu.memory_space<vmem>> -> memref<1x32xi32, #tpu.memory_space<vmem>>
    %dma_start3A_12 = tpu.memref_squeeze %dma_start3A_11 : memref<1x32xi32, #tpu.memory_space<vmem>> -> memref<32xi32, #tpu.memory_space<vmem>>
    %dma_start3A_13 = arith.constant 0 : i32
    %dma_start3A_14 = arith.constant 0 : i32
    %dma_start3A_15 = tpu.memref_slice %arg2[%dma_start3A_13, %dma_start3A_14] : memref<100000x1024xf32, #tpu.memory_space<hbm>> -> memref<100000x1024xf32, #tpu.memory_space<hbm>>
    tpu.enqueue_indirect_dma source(%dma_start3A_15 : memref<100000x1024xf32, #tpu.memory_space<hbm>>) target(%arg9 : memref<32x1024xf32, #tpu.memory_space<vmem>>) offsets(%dma_start3A_12 : memref<32xi32, #tpu.memory_space<vmem>>) semaphore(%arg12 : memref<!tpu.dma_semaphore, #tpu.memory_space<semaphore_mem>>)
    %dma_start3A_16 = arith.constant 2 : i32
    %dma_start3A_17 = arith.constant 0 : i32
    %dma_start3A_18 = tpu.memref_slice %arg6[%dma_start3A_16, %dma_start3A_17] : memref<8x32xi32, #tpu.memory_space<vmem>> -> memref<1x32xi32, #tpu.memory_space<vmem>>
    %dma_start3A_19 = tpu.memref_squeeze %dma_start3A_18 : memref<1x32xi32, #tpu.memory_space<vmem>> -> memref<32xi32, #tpu.memory_space<vmem>>
    %dma_start3A_20 = arith.constant 0 : i32
    %dma_start3A_21 = arith.constant 0 : i32
    %dma_start3A_22 = tpu.memref_slice %arg2[%dma_start3A_20, %dma_start3A_21] : memref<100000x1024xf32, #tpu.memory_space<hbm>> -> memref<100000x1024xf32, #tpu.memory_space<hbm>>
    tpu.enqueue_indirect_dma source(%dma_start3A_22 : memref<100000x1024xf32, #tpu.memory_space<hbm>>) target(%arg10 : memref<32x1024xf32, #tpu.memory_space<vmem>>) offsets(%dma_start3A_19 : memref<32xi32, #tpu.memory_space<vmem>>) semaphore(%arg13 : memref<!tpu.dma_semaphore, #tpu.memory_space<semaphore_mem>>)
    %dma_wait3A = arith.constant 0 : i32
    %dma_wait3A_23 = arith.constant 0 : i32
    %dma_wait3A_24 = tpu.memref_slice %arg6[%dma_wait3A, %dma_wait3A_23] : memref<8x32xi32, #tpu.memory_space<vmem>> -> memref<1x32xi32, #tpu.memory_space<vmem>>
    %dma_wait3A_25 = tpu.memref_squeeze %dma_wait3A_24 : memref<1x32xi32, #tpu.memory_space<vmem>> -> memref<32xi32, #tpu.memory_space<vmem>>
    %dma_wait3A_26 = arith.constant 0 : i32
    %dma_wait3A_27 = arith.constant 0 : i32
    %dma_wait3A_28 = tpu.memref_slice %arg2[%dma_wait3A_26, %dma_wait3A_27] : memref<100000x1024xf32, #tpu.memory_space<hbm>> -> memref<100000x1024xf32, #tpu.memory_space<hbm>>
    tpu.wait_indirect_dma semaphore(%arg11 : memref<!tpu.dma_semaphore, #tpu.memory_space<semaphore_mem>>) src(%dma_wait3A_28 : memref<100000x1024xf32, #tpu.memory_space<hbm>>) dst(%arg8 : memref<32x1024xf32, #tpu.memory_space<vmem>>)
    %scan3A = arith.constant 0 : i32
    %scan3A_29 = arith.constant 0 : i32
    %scan3A_30 = arith.constant 32 : i32
    %scan3A_31 = arith.addi %scan3A_29, %scan3A_30 : i32
    %scan3A_32 = arith.constant 1 : i32
    scf.for %scan3A_240 = %scan3A_29 to %scan3A_31 step %scan3A_32  : i32 {
      %mul3A_241 = arith.constant 16 : i32
      %mul3A_242 = arith.muli %scan3A_240, %mul3A_241 : i32
      %add3A_243 = arith.constant 512 : i32
      %add3A_244 = arith.addi %add3A_243, %mul3A_242 : i32
      %get3A = arith.constant 0 : i32
      %get3A_245 = arith.index_cast %get3A : i32 to index
      %get3A_246 = arith.index_cast %mul3A_242 : i32 to index
      %get3A_247 = tpu.vector_load %arg7[%get3A_245, %get3A_246] {strides = array<i32>} : memref<2x512xf32, #tpu.memory_space<vmem>>, vector<1x16xf32>,
      %get3A_248 = vector.shape_cast %get3A_247 : vector<1x16xf32> to vector<16xf32>
      %get3A_249 = arith.constant 1 : i32
      %get3A_250 = arith.index_cast %get3A_249 : i32 to index
      %get3A_251 = arith.index_cast %mul3A_242 : i32 to index
      %get3A_252 = tpu.vector_load %arg7[%get3A_250, %get3A_251] {strides = array<i32>} : memref<2x512xf32, #tpu.memory_space<vmem>>, vector<1x16xf32>,
      %get3A_253 = vector.shape_cast %get3A_252 : vector<1x16xf32> to vector<16xf32>
      %parallel_loop3A = arith.constant 0 : i32
      %parallel_loop3A_254 = arith.constant 32 : i32
      %parallel_loop3A_255 = arith.constant 1 : i32
      scf.for %parallel_loop3A_256 = %parallel_loop3A to %parallel_loop3A_254 step %parallel_loop3A_255  : i32 {
        %parallel_loop3A_257 = arith.index_cast %parallel_loop3A_256 : i32 to index
        %parallel_loop3A_258 = arith.index_cast %mul3A_242 : i32 to index
        %parallel_loop3A_259 = tpu.vector_load %arg8[%parallel_loop3A_257, %parallel_loop3A_258] {strides = array<i32>} : memref<32x1024xf32, #tpu.memory_space<vmem>>, vector<1x16xf32>,
        %parallel_loop3A_260 = vector.shape_cast %parallel_loop3A_259 : vector<1x16xf32> to vector<16xf32>
        %parallel_loop3A_261 = arith.index_cast %parallel_loop3A_256 : i32 to index
        %parallel_loop3A_262 = arith.index_cast %add3A_244 : i32 to index
        %parallel_loop3A_263 = tpu.vector_load %arg8[%parallel_loop3A_261, %parallel_loop3A_262] {strides = array<i32>} : memref<32x1024xf32, #tpu.memory_space<vmem>>, vector<1x16xf32>,
        %parallel_loop3A_264 = vector.shape_cast %parallel_loop3A_263 : vector<1x16xf32> to vector<16xf32>
        %parallel_loop3A_265 = arith.mulf %parallel_loop3A_260, %get3A_248 : vector<16xf32>
        %parallel_loop3A_266 = arith.mulf %parallel_loop3A_264, %get3A_253 : vector<16xf32>
        %parallel_loop3A_267 = arith.subf %parallel_loop3A_265, %parallel_loop3A_266 : vector<16xf32>
        %parallel_loop3A_268 = arith.index_cast %parallel_loop3A_256 : i32 to index
        %parallel_loop3A_269 = arith.index_cast %mul3A_242 : i32 to index
        %parallel_loop3A_270 = tpu.vector_load %arg8[%parallel_loop3A_268, %parallel_loop3A_269] {strides = array<i32>} : memref<32x1024xf32, #tpu.memory_space<vmem>>, vector<1x16xf32>,
        %parallel_loop3A_271 = vector.shape_cast %parallel_loop3A_270 : vector<1x16xf32> to vector<16xf32>
        %parallel_loop3A_272 = vector.shape_cast %parallel_loop3A_267 : vector<16xf32> to vector<1x16xf32>
        tpu.vector_store %arg8[%parallel_loop3A_268, %parallel_loop3A_269], %parallel_loop3A_272 {strides = array<i32>} : memref<32x1024xf32, #tpu.memory_space<vmem>>, vector<1x16xf32>,
        %parallel_loop3A_273 = arith.mulf %parallel_loop3A_260, %get3A_253 : vector<16xf32>
        %parallel_loop3A_274 = arith.mulf %parallel_loop3A_264, %get3A_248 : vector<16xf32>
        %parallel_loop3A_275 = arith.addf %parallel_loop3A_273, %parallel_loop3A_274 : vector<16xf32>
        %parallel_loop3A_276 = arith.index_cast %parallel_loop3A_256 : i32 to index
        %parallel_loop3A_277 = arith.index_cast %add3A_244 : i32 to index
        %parallel_loop3A_278 = tpu.vector_load %arg8[%parallel_loop3A_276, %parallel_loop3A_277] {strides = array<i32>} : memref<32x1024xf32, #tpu.memory_space<vmem>>, vector<1x16xf32>,
        %parallel_loop3A_279 = vector.shape_cast %parallel_loop3A_278 : vector<1x16xf32> to vector<16xf32>
        %parallel_loop3A_280 = vector.shape_cast %parallel_loop3A_275 : vector<16xf32> to vector<1x16xf32>
        tpu.vector_store %arg8[%parallel_loop3A_276, %parallel_loop3A_277], %parallel_loop3A_280 {strides = array<i32>} : memref<32x1024xf32, #tpu.memory_space<vmem>>, vector<1x16xf32>,
      } {sc.loop_unroll_factor = 4 : i64, sc.parallel_access}
    }
    %scan3A_33 = arith.constant 32 : i32
    %add3A_34 = arith.constant 0 : i32
    %add3A_35 = arith.addi %mul3A_2, %add3A_34 : i32
    %dma_start3A_36 = arith.constant 0 : i32
    %dma_start3A_37 = tpu.memref_slice %arg5[%add3A_35, %dma_start3A_36] : memref<8192x1024xf32, #tpu.memory_space<hbm>> -> memref<32x1024xf32, #tpu.memory_space<hbm>>
    %dma_start3A_38 = arith.constant 0 : i32
    %dma_start3A_39 = tpu.memref_slice %arg5[%add3A_35, %dma_start3A_38] : memref<8192x1024xf32, #tpu.memory_space<hbm>> -> memref<32x1024xf32, #tpu.memory_space<hbm>>
    tpu.enqueue_dma source(%arg8 : memref<32x1024xf32, #tpu.memory_space<vmem>>) target(%dma_start3A_39 : memref<32x1024xf32, #tpu.memory_space<hbm>>) target_semaphore(%arg14 : memref<!tpu.dma_semaphore, #tpu.memory_space<semaphore_mem>>)
    %dma_wait3A_40 = arith.constant 1 : i32
    %dma_wait3A_41 = arith.constant 0 : i32
    %dma_wait3A_42 = tpu.memref_slice %arg6[%dma_wait3A_40, %dma_wait3A_41] : memref<8x32xi32, #tpu.memory_space<vmem>> -> memref<1x32xi32, #tpu.memory_space<vmem>>
    %dma_wait3A_43 = tpu.memref_squeeze %dma_wait3A_42 : memref<1x32xi32, #tpu.memory_space<vmem>> -> memref<32xi32, #tpu.memory_space<vmem>>
    %dma_wait3A_44 = arith.constant 0 : i32
    %dma_wait3A_45 = arith.constant 0 : i32
    %dma_wait3A_46 = tpu.memref_slice %arg2[%dma_wait3A_44, %dma_wait3A_45] : memref<100000x1024xf32, #tpu.memory_space<hbm>> -> memref<100000x1024xf32, #tpu.memory_space<hbm>>
    tpu.wait_indirect_dma semaphore(%arg12 : memref<!tpu.dma_semaphore, #tpu.memory_space<semaphore_mem>>) src(%dma_wait3A_46 : memref<100000x1024xf32, #tpu.memory_space<hbm>>) dst(%arg9 : memref<32x1024xf32, #tpu.memory_space<vmem>>)
    %scan3A_47 = arith.constant 0 : i32
    %scan3A_48 = arith.constant 0 : i32
    %scan3A_49 = arith.constant 32 : i32
    %scan3A_50 = arith.addi %scan3A_48, %scan3A_49 : i32
    %scan3A_51 = arith.constant 1 : i32
    scf.for %scan3A_240 = %scan3A_48 to %scan3A_50 step %scan3A_51  : i32 {
      %mul3A_241 = arith.constant 16 : i32
      %mul3A_242 = arith.muli %scan3A_240, %mul3A_241 : i32
      %add3A_243 = arith.constant 512 : i32
      %add3A_244 = arith.addi %add3A_243, %mul3A_242 : i32
      %get3A = arith.constant 0 : i32
      %get3A_245 = arith.index_cast %get3A : i32 to index
      %get3A_246 = arith.index_cast %mul3A_242 : i32 to index
      %get3A_247 = tpu.vector_load %arg7[%get3A_245, %get3A_246] {strides = array<i32>} : memref<2x512xf32, #tpu.memory_space<vmem>>, vector<1x16xf32>,
      %get3A_248 = vector.shape_cast %get3A_247 : vector<1x16xf32> to vector<16xf32>
      %get3A_249 = arith.constant 1 : i32
      %get3A_250 = arith.index_cast %get3A_249 : i32 to index
      %get3A_251 = arith.index_cast %mul3A_242 : i32 to index
      %get3A_252 = tpu.vector_load %arg7[%get3A_250, %get3A_251] {strides = array<i32>} : memref<2x512xf32, #tpu.memory_space<vmem>>, vector<1x16xf32>,
      %get3A_253 = vector.shape_cast %get3A_252 : vector<1x16xf32> to vector<16xf32>
      %parallel_loop3A = arith.constant 0 : i32
      %parallel_loop3A_254 = arith.constant 32 : i32
      %parallel_loop3A_255 = arith.constant 1 : i32
      scf.for %parallel_loop3A_256 = %parallel_loop3A to %parallel_loop3A_254 step %parallel_loop3A_255  : i32 {
        %parallel_loop3A_257 = arith.index_cast %parallel_loop3A_256 : i32 to index
        %parallel_loop3A_258 = arith.index_cast %mul3A_242 : i32 to index
        %parallel_loop3A_259 = tpu.vector_load %arg9[%parallel_loop3A_257, %parallel_loop3A_258] {strides = array<i32>} : memref<32x1024xf32, #tpu.memory_space<vmem>>, vector<1x16xf32>,
        %parallel_loop3A_260 = vector.shape_cast %parallel_loop3A_259 : vector<1x16xf32> to vector<16xf32>
        %parallel_loop3A_261 = arith.index_cast %parallel_loop3A_256 : i32 to index
        %parallel_loop3A_262 = arith.index_cast %add3A_244 : i32 to index
        %parallel_loop3A_263 = tpu.vector_load %arg9[%parallel_loop3A_261, %parallel_loop3A_262] {strides = array<i32>} : memref<32x1024xf32, #tpu.memory_space<vmem>>, vector<1x16xf32>,
        %parallel_loop3A_264 = vector.shape_cast %parallel_loop3A_263 : vector<1x16xf32> to vector<16xf32>
        %parallel_loop3A_265 = arith.mulf %parallel_loop3A_260, %get3A_248 : vector<16xf32>
        %parallel_loop3A_266 = arith.mulf %parallel_loop3A_264, %get3A_253 : vector<16xf32>
        %parallel_loop3A_267 = arith.subf %parallel_loop3A_265, %parallel_loop3A_266 : vector<16xf32>
        %parallel_loop3A_268 = arith.index_cast %parallel_loop3A_256 : i32 to index
        %parallel_loop3A_269 = arith.index_cast %mul3A_242 : i32 to index
        %parallel_loop3A_270 = tpu.vector_load %arg9[%parallel_loop3A_268, %parallel_loop3A_269] {strides = array<i32>} : memref<32x1024xf32, #tpu.memory_space<vmem>>, vector<1x16xf32>,
        %parallel_loop3A_271 = vector.shape_cast %parallel_loop3A_270 : vector<1x16xf32> to vector<16xf32>
        %parallel_loop3A_272 = vector.shape_cast %parallel_loop3A_267 : vector<16xf32> to vector<1x16xf32>
        tpu.vector_store %arg9[%parallel_loop3A_268, %parallel_loop3A_269], %parallel_loop3A_272 {strides = array<i32>} : memref<32x1024xf32, #tpu.memory_space<vmem>>, vector<1x16xf32>,
        %parallel_loop3A_273 = arith.mulf %parallel_loop3A_260, %get3A_253 : vector<16xf32>
        %parallel_loop3A_274 = arith.mulf %parallel_loop3A_264, %get3A_248 : vector<16xf32>
        %parallel_loop3A_275 = arith.addf %parallel_loop3A_273, %parallel_loop3A_274 : vector<16xf32>
        %parallel_loop3A_276 = arith.index_cast %parallel_loop3A_256 : i32 to index
        %parallel_loop3A_277 = arith.index_cast %add3A_244 : i32 to index
        %parallel_loop3A_278 = tpu.vector_load %arg9[%parallel_loop3A_276, %parallel_loop3A_277] {strides = array<i32>} : memref<32x1024xf32, #tpu.memory_space<vmem>>, vector<1x16xf32>,
        %parallel_loop3A_279 = vector.shape_cast %parallel_loop3A_278 : vector<1x16xf32> to vector<16xf32>
        %parallel_loop3A_280 = vector.shape_cast %parallel_loop3A_275 : vector<16xf32> to vector<1x16xf32>
        tpu.vector_store %arg9[%parallel_loop3A_276, %parallel_loop3A_277], %parallel_loop3A_280 {strides = array<i32>} : memref<32x1024xf32, #tpu.memory_space<vmem>>, vector<1x16xf32>,
      } {sc.loop_unroll_factor = 4 : i64, sc.parallel_access}
    }
    %scan3A_52 = arith.constant 32 : i32
    %add3A_53 = arith.constant 32 : i32
    %add3A_54 = arith.addi %mul3A_2, %add3A_53 : i32
    %dma_start3A_55 = arith.constant 0 : i32
    %dma_start3A_56 = tpu.memref_slice %arg5[%add3A_54, %dma_start3A_55] : memref<8192x1024xf32, #tpu.memory_space<hbm>> -> memref<32x1024xf32, #tpu.memory_space<hbm>>
    %dma_start3A_57 = arith.constant 0 : i32
    %dma_start3A_58 = tpu.memref_slice %arg5[%add3A_54, %dma_start3A_57] : memref<8192x1024xf32, #tpu.memory_space<hbm>> -> memref<32x1024xf32, #tpu.memory_space<hbm>>
    tpu.enqueue_dma source(%arg9 : memref<32x1024xf32, #tpu.memory_space<vmem>>) target(%dma_start3A_58 : memref<32x1024xf32, #tpu.memory_space<hbm>>) target_semaphore(%arg15 : memref<!tpu.dma_semaphore, #tpu.memory_space<semaphore_mem>>)
    %dma_wait3A_59 = arith.constant 0 : i32
    %dma_wait3A_60 = tpu.memref_slice %arg5[%add3A_35, %dma_wait3A_59] : memref<8192x1024xf32, #tpu.memory_space<hbm>> -> memref<32x1024xf32, #tpu.memory_space<hbm>>
    %dma_wait3A_61 = arith.constant 0 : i32
    %dma_wait3A_62 = tpu.memref_slice %arg5[%add3A_35, %dma_wait3A_61] : memref<8192x1024xf32, #tpu.memory_space<hbm>> -> memref<32x1024xf32, #tpu.memory_space<hbm>>
    tpu.wait_dma2 semaphore(%arg14 : memref<!tpu.dma_semaphore, #tpu.memory_space<semaphore_mem>>) src(%arg8 : memref<32x1024xf32, #tpu.memory_space<vmem>>) dst(%dma_wait3A_62 : memref<32x1024xf32, #tpu.memory_space<hbm>>)
    %dma_start3A_63 = arith.constant 3 : i32
    %dma_start3A_64 = arith.constant 0 : i32
    %dma_start3A_65 = tpu.memref_slice %arg6[%dma_start3A_63, %dma_start3A_64] : memref<8x32xi32, #tpu.memory_space<vmem>> -> memref<1x32xi32, #tpu.memory_space<vmem>>
    %dma_start3A_66 = tpu.memref_squeeze %dma_start3A_65 : memref<1x32xi32, #tpu.memory_space<vmem>> -> memref<32xi32, #tpu.memory_space<vmem>>
    %dma_start3A_67 = arith.constant 0 : i32
    %dma_start3A_68 = arith.constant 0 : i32
    %dma_start3A_69 = tpu.memref_slice %arg2[%dma_start3A_67, %dma_start3A_68] : memref<100000x1024xf32, #tpu.memory_space<hbm>> -> memref<100000x1024xf32, #tpu.memory_space<hbm>>
    tpu.enqueue_indirect_dma source(%dma_start3A_69 : memref<100000x1024xf32, #tpu.memory_space<hbm>>) target(%arg8 : memref<32x1024xf32, #tpu.memory_space<vmem>>) offsets(%dma_start3A_66 : memref<32xi32, #tpu.memory_space<vmem>>) semaphore(%arg11 : memref<!tpu.dma_semaphore, #tpu.memory_space<semaphore_mem>>)
    %dma_wait3A_70 = arith.constant 2 : i32
    %dma_wait3A_71 = arith.constant 0 : i32
    %dma_wait3A_72 = tpu.memref_slice %arg6[%dma_wait3A_70, %dma_wait3A_71] : memref<8x32xi32, #tpu.memory_space<vmem>> -> memref<1x32xi32, #tpu.memory_space<vmem>>
    %dma_wait3A_73 = tpu.memref_squeeze %dma_wait3A_72 : memref<1x32xi32, #tpu.memory_space<vmem>> -> memref<32xi32, #tpu.memory_space<vmem>>
    %dma_wait3A_74 = arith.constant 0 : i32
    %dma_wait3A_75 = arith.constant 0 : i32
    %dma_wait3A_76 = tpu.memref_slice %arg2[%dma_wait3A_74, %dma_wait3A_75] : memref<100000x1024xf32, #tpu.memory_space<hbm>> -> memref<100000x1024xf32, #tpu.memory_space<hbm>>
    tpu.wait_indirect_dma semaphore(%arg13 : memref<!tpu.dma_semaphore, #tpu.memory_space<semaphore_mem>>) src(%dma_wait3A_76 : memref<100000x1024xf32, #tpu.memory_space<hbm>>) dst(%arg10 : memref<32x1024xf32, #tpu.memory_space<vmem>>)
    %scan3A_77 = arith.constant 0 : i32
    %scan3A_78 = arith.constant 0 : i32
    %scan3A_79 = arith.constant 32 : i32
    %scan3A_80 = arith.addi %scan3A_78, %scan3A_79 : i32
    %scan3A_81 = arith.constant 1 : i32
    scf.for %scan3A_240 = %scan3A_78 to %scan3A_80 step %scan3A_81  : i32 {
      %mul3A_241 = arith.constant 16 : i32
      %mul3A_242 = arith.muli %scan3A_240, %mul3A_241 : i32
      %add3A_243 = arith.constant 512 : i32
      %add3A_244 = arith.addi %add3A_243, %mul3A_242 : i32
      %get3A = arith.constant 0 : i32
      %get3A_245 = arith.index_cast %get3A : i32 to index
      %get3A_246 = arith.index_cast %mul3A_242 : i32 to index
      %get3A_247 = tpu.vector_load %arg7[%get3A_245, %get3A_246] {strides = array<i32>} : memref<2x512xf32, #tpu.memory_space<vmem>>, vector<1x16xf32>,
      %get3A_248 = vector.shape_cast %get3A_247 : vector<1x16xf32> to vector<16xf32>
      %get3A_249 = arith.constant 1 : i32
      %get3A_250 = arith.index_cast %get3A_249 : i32 to index
      %get3A_251 = arith.index_cast %mul3A_242 : i32 to index
      %get3A_252 = tpu.vector_load %arg7[%get3A_250, %get3A_251] {strides = array<i32>} : memref<2x512xf32, #tpu.memory_space<vmem>>, vector<1x16xf32>,
      %get3A_253 = vector.shape_cast %get3A_252 : vector<1x16xf32> to vector<16xf32>
      %parallel_loop3A = arith.constant 0 : i32
      %parallel_loop3A_254 = arith.constant 32 : i32
      %parallel_loop3A_255 = arith.constant 1 : i32
      scf.for %parallel_loop3A_256 = %parallel_loop3A to %parallel_loop3A_254 step %parallel_loop3A_255  : i32 {
        %parallel_loop3A_257 = arith.index_cast %parallel_loop3A_256 : i32 to index
        %parallel_loop3A_258 = arith.index_cast %mul3A_242 : i32 to index
        %parallel_loop3A_259 = tpu.vector_load %arg10[%parallel_loop3A_257, %parallel_loop3A_258] {strides = array<i32>} : memref<32x1024xf32, #tpu.memory_space<vmem>>, vector<1x16xf32>,
        %parallel_loop3A_260 = vector.shape_cast %parallel_loop3A_259 : vector<1x16xf32> to vector<16xf32>
        %parallel_loop3A_261 = arith.index_cast %parallel_loop3A_256 : i32 to index
        %parallel_loop3A_262 = arith.index_cast %add3A_244 : i32 to index
        %parallel_loop3A_263 = tpu.vector_load %arg10[%parallel_loop3A_261, %parallel_loop3A_262] {strides = array<i32>} : memref<32x1024xf32, #tpu.memory_space<vmem>>, vector<1x16xf32>,
        %parallel_loop3A_264 = vector.shape_cast %parallel_loop3A_263 : vector<1x16xf32> to vector<16xf32>
        %parallel_loop3A_265 = arith.mulf %parallel_loop3A_260, %get3A_248 : vector<16xf32>
        %parallel_loop3A_266 = arith.mulf %parallel_loop3A_264, %get3A_253 : vector<16xf32>
        %parallel_loop3A_267 = arith.subf %parallel_loop3A_265, %parallel_loop3A_266 : vector<16xf32>
        %parallel_loop3A_268 = arith.index_cast %parallel_loop3A_256 : i32 to index
        %parallel_loop3A_269 = arith.index_cast %mul3A_242 : i32 to index
        %parallel_loop3A_270 = tpu.vector_load %arg10[%parallel_loop3A_268, %parallel_loop3A_269] {strides = array<i32>} : memref<32x1024xf32, #tpu.memory_space<vmem>>, vector<1x16xf32>,
        %parallel_loop3A_271 = vector.shape_cast %parallel_loop3A_270 : vector<1x16xf32> to vector<16xf32>
        %parallel_loop3A_272 = vector.shape_cast %parallel_loop3A_267 : vector<16xf32> to vector<1x16xf32>
        tpu.vector_store %arg10[%parallel_loop3A_268, %parallel_loop3A_269], %parallel_loop3A_272 {strides = array<i32>} : memref<32x1024xf32, #tpu.memory_space<vmem>>, vector<1x16xf32>,
        %parallel_loop3A_273 = arith.mulf %parallel_loop3A_260, %get3A_253 : vector<16xf32>
        %parallel_loop3A_274 = arith.mulf %parallel_loop3A_264, %get3A_248 : vector<16xf32>
        %parallel_loop3A_275 = arith.addf %parallel_loop3A_273, %parallel_loop3A_274 : vector<16xf32>
        %parallel_loop3A_276 = arith.index_cast %parallel_loop3A_256 : i32 to index
        %parallel_loop3A_277 = arith.index_cast %add3A_244 : i32 to index
        %parallel_loop3A_278 = tpu.vector_load %arg10[%parallel_loop3A_276, %parallel_loop3A_277] {strides = array<i32>} : memref<32x1024xf32, #tpu.memory_space<vmem>>, vector<1x16xf32>,
        %parallel_loop3A_279 = vector.shape_cast %parallel_loop3A_278 : vector<1x16xf32> to vector<16xf32>
        %parallel_loop3A_280 = vector.shape_cast %parallel_loop3A_275 : vector<16xf32> to vector<1x16xf32>
        tpu.vector_store %arg10[%parallel_loop3A_276, %parallel_loop3A_277], %parallel_loop3A_280 {strides = array<i32>} : memref<32x1024xf32, #tpu.memory_space<vmem>>, vector<1x16xf32>,
      } {sc.loop_unroll_factor = 4 : i64, sc.parallel_access}
    }
    %scan3A_82 = arith.constant 32 : i32
    %add3A_83 = arith.constant 64 : i32
    %add3A_84 = arith.addi %mul3A_2, %add3A_83 : i32
    %dma_start3A_85 = arith.constant 0 : i32
    %dma_start3A_86 = tpu.memref_slice %arg5[%add3A_84, %dma_start3A_85] : memref<8192x1024xf32, #tpu.memory_space<hbm>> -> memref<32x1024xf32, #tpu.memory_space<hbm>>
    %dma_start3A_87 = arith.constant 0 : i32
    %dma_start3A_88 = tpu.memref_slice %arg5[%add3A_84, %dma_start3A_87] : memref<8192x1024xf32, #tpu.memory_space<hbm>> -> memref<32x1024xf32, #tpu.memory_space<hbm>>
    tpu.enqueue_dma source(%arg10 : memref<32x1024xf32, #tpu.memory_space<vmem>>) target(%dma_start3A_88 : memref<32x1024xf32, #tpu.memory_space<hbm>>) target_semaphore(%arg16 : memref<!tpu.dma_semaphore, #tpu.memory_space<semaphore_mem>>)
    %dma_wait3A_89 = arith.constant 0 : i32
    %dma_wait3A_90 = tpu.memref_slice %arg5[%add3A_54, %dma_wait3A_89] : memref<8192x1024xf32, #tpu.memory_space<hbm>> -> memref<32x1024xf32, #tpu.memory_space<hbm>>
    %dma_wait3A_91 = arith.constant 0 : i32
    %dma_wait3A_92 = tpu.memref_slice %arg5[%add3A_54, %dma_wait3A_91] : memref<8192x1024xf32, #tpu.memory_space<hbm>> -> memref<32x1024xf32, #tpu.memory_space<hbm>>
    tpu.wait_dma2 semaphore(%arg15 : memref<!tpu.dma_semaphore, #tpu.memory_space<semaphore_mem>>) src(%arg9 : memref<32x1024xf32, #tpu.memory_space<vmem>>) dst(%dma_wait3A_92 : memref<32x1024xf32, #tpu.memory_space<hbm>>)
    %dma_start3A_93 = arith.constant 4 : i32
    %dma_start3A_94 = arith.constant 0 : i32
    %dma_start3A_95 = tpu.memref_slice %arg6[%dma_start3A_93, %dma_start3A_94] : memref<8x32xi32, #tpu.memory_space<vmem>> -> memref<1x32xi32, #tpu.memory_space<vmem>>
    %dma_start3A_96 = tpu.memref_squeeze %dma_start3A_95 : memref<1x32xi32, #tpu.memory_space<vmem>> -> memref<32xi32, #tpu.memory_space<vmem>>
    %dma_start3A_97 = arith.constant 0 : i32
    %dma_start3A_98 = arith.constant 0 : i32
    %dma_start3A_99 = tpu.memref_slice %arg2[%dma_start3A_97, %dma_start3A_98] : memref<100000x1024xf32, #tpu.memory_space<hbm>> -> memref<100000x1024xf32, #tpu.memory_space<hbm>>
    tpu.enqueue_indirect_dma source(%dma_start3A_99 : memref<100000x1024xf32, #tpu.memory_space<hbm>>) target(%arg9 : memref<32x1024xf32, #tpu.memory_space<vmem>>) offsets(%dma_start3A_96 : memref<32xi32, #tpu.memory_space<vmem>>) semaphore(%arg12 : memref<!tpu.dma_semaphore, #tpu.memory_space<semaphore_mem>>)
    %dma_wait3A_100 = arith.constant 3 : i32
    %dma_wait3A_101 = arith.constant 0 : i32
    %dma_wait3A_102 = tpu.memref_slice %arg6[%dma_wait3A_100, %dma_wait3A_101] : memref<8x32xi32, #tpu.memory_space<vmem>> -> memref<1x32xi32, #tpu.memory_space<vmem>>
    %dma_wait3A_103 = tpu.memref_squeeze %dma_wait3A_102 : memref<1x32xi32, #tpu.memory_space<vmem>> -> memref<32xi32, #tpu.memory_space<vmem>>
    %dma_wait3A_104 = arith.constant 0 : i32
    %dma_wait3A_105 = arith.constant 0 : i32
    %dma_wait3A_106 = tpu.memref_slice %arg2[%dma_wait3A_104, %dma_wait3A_105] : memref<100000x1024xf32, #tpu.memory_space<hbm>> -> memref<100000x1024xf32, #tpu.memory_space<hbm>>
    tpu.wait_indirect_dma semaphore(%arg11 : memref<!tpu.dma_semaphore, #tpu.memory_space<semaphore_mem>>) src(%dma_wait3A_106 : memref<100000x1024xf32, #tpu.memory_space<hbm>>) dst(%arg8 : memref<32x1024xf32, #tpu.memory_space<vmem>>)
    %scan3A_107 = arith.constant 0 : i32
    %scan3A_108 = arith.constant 0 : i32
    %scan3A_109 = arith.constant 32 : i32
    %scan3A_110 = arith.addi %scan3A_108, %scan3A_109 : i32
    %scan3A_111 = arith.constant 1 : i32
    scf.for %scan3A_240 = %scan3A_108 to %scan3A_110 step %scan3A_111  : i32 {
      %mul3A_241 = arith.constant 16 : i32
      %mul3A_242 = arith.muli %scan3A_240, %mul3A_241 : i32
      %add3A_243 = arith.constant 512 : i32
      %add3A_244 = arith.addi %add3A_243, %mul3A_242 : i32
      %get3A = arith.constant 0 : i32
      %get3A_245 = arith.index_cast %get3A : i32 to index
      %get3A_246 = arith.index_cast %mul3A_242 : i32 to index
      %get3A_247 = tpu.vector_load %arg7[%get3A_245, %get3A_246] {strides = array<i32>} : memref<2x512xf32, #tpu.memory_space<vmem>>, vector<1x16xf32>,
      %get3A_248 = vector.shape_cast %get3A_247 : vector<1x16xf32> to vector<16xf32>
      %get3A_249 = arith.constant 1 : i32
      %get3A_250 = arith.index_cast %get3A_249 : i32 to index
      %get3A_251 = arith.index_cast %mul3A_242 : i32 to index
      %get3A_252 = tpu.vector_load %arg7[%get3A_250, %get3A_251] {strides = array<i32>} : memref<2x512xf32, #tpu.memory_space<vmem>>, vector<1x16xf32>,
      %get3A_253 = vector.shape_cast %get3A_252 : vector<1x16xf32> to vector<16xf32>
      %parallel_loop3A = arith.constant 0 : i32
      %parallel_loop3A_254 = arith.constant 32 : i32
      %parallel_loop3A_255 = arith.constant 1 : i32
      scf.for %parallel_loop3A_256 = %parallel_loop3A to %parallel_loop3A_254 step %parallel_loop3A_255  : i32 {
        %parallel_loop3A_257 = arith.index_cast %parallel_loop3A_256 : i32 to index
        %parallel_loop3A_258 = arith.index_cast %mul3A_242 : i32 to index
        %parallel_loop3A_259 = tpu.vector_load %arg8[%parallel_loop3A_257, %parallel_loop3A_258] {strides = array<i32>} : memref<32x1024xf32, #tpu.memory_space<vmem>>, vector<1x16xf32>,
        %parallel_loop3A_260 = vector.shape_cast %parallel_loop3A_259 : vector<1x16xf32> to vector<16xf32>
        %parallel_loop3A_261 = arith.index_cast %parallel_loop3A_256 : i32 to index
        %parallel_loop3A_262 = arith.index_cast %add3A_244 : i32 to index
        %parallel_loop3A_263 = tpu.vector_load %arg8[%parallel_loop3A_261, %parallel_loop3A_262] {strides = array<i32>} : memref<32x1024xf32, #tpu.memory_space<vmem>>, vector<1x16xf32>,
        %parallel_loop3A_264 = vector.shape_cast %parallel_loop3A_263 : vector<1x16xf32> to vector<16xf32>
        %parallel_loop3A_265 = arith.mulf %parallel_loop3A_260, %get3A_248 : vector<16xf32>
        %parallel_loop3A_266 = arith.mulf %parallel_loop3A_264, %get3A_253 : vector<16xf32>
        %parallel_loop3A_267 = arith.subf %parallel_loop3A_265, %parallel_loop3A_266 : vector<16xf32>
        %parallel_loop3A_268 = arith.index_cast %parallel_loop3A_256 : i32 to index
        %parallel_loop3A_269 = arith.index_cast %mul3A_242 : i32 to index
        %parallel_loop3A_270 = tpu.vector_load %arg8[%parallel_loop3A_268, %parallel_loop3A_269] {strides = array<i32>} : memref<32x1024xf32, #tpu.memory_space<vmem>>, vector<1x16xf32>,
        %parallel_loop3A_271 = vector.shape_cast %parallel_loop3A_270 : vector<1x16xf32> to vector<16xf32>
        %parallel_loop3A_272 = vector.shape_cast %parallel_loop3A_267 : vector<16xf32> to vector<1x16xf32>
        tpu.vector_store %arg8[%parallel_loop3A_268, %parallel_loop3A_269], %parallel_loop3A_272 {strides = array<i32>} : memref<32x1024xf32, #tpu.memory_space<vmem>>, vector<1x16xf32>,
        %parallel_loop3A_273 = arith.mulf %parallel_loop3A_260, %get3A_253 : vector<16xf32>
        %parallel_loop3A_274 = arith.mulf %parallel_loop3A_264, %get3A_248 : vector<16xf32>
        %parallel_loop3A_275 = arith.addf %parallel_loop3A_273, %parallel_loop3A_274 : vector<16xf32>
        %parallel_loop3A_276 = arith.index_cast %parallel_loop3A_256 : i32 to index
        %parallel_loop3A_277 = arith.index_cast %add3A_244 : i32 to index
        %parallel_loop3A_278 = tpu.vector_load %arg8[%parallel_loop3A_276, %parallel_loop3A_277] {strides = array<i32>} : memref<32x1024xf32, #tpu.memory_space<vmem>>, vector<1x16xf32>,
        %parallel_loop3A_279 = vector.shape_cast %parallel_loop3A_278 : vector<1x16xf32> to vector<16xf32>
        %parallel_loop3A_280 = vector.shape_cast %parallel_loop3A_275 : vector<16xf32> to vector<1x16xf32>
        tpu.vector_store %arg8[%parallel_loop3A_276, %parallel_loop3A_277], %parallel_loop3A_280 {strides = array<i32>} : memref<32x1024xf32, #tpu.memory_space<vmem>>, vector<1x16xf32>,
      } {sc.loop_unroll_factor = 4 : i64, sc.parallel_access}
    }
    %scan3A_112 = arith.constant 32 : i32
    %add3A_113 = arith.constant 96 : i32
    %add3A_114 = arith.addi %mul3A_2, %add3A_113 : i32
    %dma_start3A_115 = arith.constant 0 : i32
    %dma_start3A_116 = tpu.memref_slice %arg5[%add3A_114, %dma_start3A_115] : memref<8192x1024xf32, #tpu.memory_space<hbm>> -> memref<32x1024xf32, #tpu.memory_space<hbm>>
    %dma_start3A_117 = arith.constant 0 : i32
    %dma_start3A_118 = tpu.memref_slice %arg5[%add3A_114, %dma_start3A_117] : memref<8192x1024xf32, #tpu.memory_space<hbm>> -> memref<32x1024xf32, #tpu.memory_space<hbm>>
    tpu.enqueue_dma source(%arg8 : memref<32x1024xf32, #tpu.memory_space<vmem>>) target(%dma_start3A_118 : memref<32x1024xf32, #tpu.memory_space<hbm>>) target_semaphore(%arg14 : memref<!tpu.dma_semaphore, #tpu.memory_space<semaphore_mem>>)
    %dma_wait3A_119 = arith.constant 0 : i32
    %dma_wait3A_120 = tpu.memref_slice %arg5[%add3A_84, %dma_wait3A_119] : memref<8192x1024xf32, #tpu.memory_space<hbm>> -> memref<32x1024xf32, #tpu.memory_space<hbm>>
    %dma_wait3A_121 = arith.constant 0 : i32
    %dma_wait3A_122 = tpu.memref_slice %arg5[%add3A_84, %dma_wait3A_121] : memref<8192x1024xf32, #tpu.memory_space<hbm>> -> memref<32x1024xf32, #tpu.memory_space<hbm>>
    tpu.wait_dma2 semaphore(%arg16 : memref<!tpu.dma_semaphore, #tpu.memory_space<semaphore_mem>>) src(%arg10 : memref<32x1024xf32, #tpu.memory_space<vmem>>) dst(%dma_wait3A_122 : memref<32x1024xf32, #tpu.memory_space<hbm>>)
    %dma_start3A_123 = arith.constant 5 : i32
    %dma_start3A_124 = arith.constant 0 : i32
    %dma_start3A_125 = tpu.memref_slice %arg6[%dma_start3A_123, %dma_start3A_124] : memref<8x32xi32, #tpu.memory_space<vmem>> -> memref<1x32xi32, #tpu.memory_space<vmem>>
    %dma_start3A_126 = tpu.memref_squeeze %dma_start3A_125 : memref<1x32xi32, #tpu.memory_space<vmem>> -> memref<32xi32, #tpu.memory_space<vmem>>
    %dma_start3A_127 = arith.constant 0 : i32
    %dma_start3A_128 = arith.constant 0 : i32
    %dma_start3A_129 = tpu.memref_slice %arg2[%dma_start3A_127, %dma_start3A_128] : memref<100000x1024xf32, #tpu.memory_space<hbm>> -> memref<100000x1024xf32, #tpu.memory_space<hbm>>
    tpu.enqueue_indirect_dma source(%dma_start3A_129 : memref<100000x1024xf32, #tpu.memory_space<hbm>>) target(%arg10 : memref<32x1024xf32, #tpu.memory_space<vmem>>) offsets(%dma_start3A_126 : memref<32xi32, #tpu.memory_space<vmem>>) semaphore(%arg13 : memref<!tpu.dma_semaphore, #tpu.memory_space<semaphore_mem>>)
    %dma_wait3A_130 = arith.constant 4 : i32
    %dma_wait3A_131 = arith.constant 0 : i32
    %dma_wait3A_132 = tpu.memref_slice %arg6[%dma_wait3A_130, %dma_wait3A_131] : memref<8x32xi32, #tpu.memory_space<vmem>> -> memref<1x32xi32, #tpu.memory_space<vmem>>
    %dma_wait3A_133 = tpu.memref_squeeze %dma_wait3A_132 : memref<1x32xi32, #tpu.memory_space<vmem>> -> memref<32xi32, #tpu.memory_space<vmem>>
    %dma_wait3A_134 = arith.constant 0 : i32
    %dma_wait3A_135 = arith.constant 0 : i32
    %dma_wait3A_136 = tpu.memref_slice %arg2[%dma_wait3A_134, %dma_wait3A_135] : memref<100000x1024xf32, #tpu.memory_space<hbm>> -> memref<100000x1024xf32, #tpu.memory_space<hbm>>
    tpu.wait_indirect_dma semaphore(%arg12 : memref<!tpu.dma_semaphore, #tpu.memory_space<semaphore_mem>>) src(%dma_wait3A_136 : memref<100000x1024xf32, #tpu.memory_space<hbm>>) dst(%arg9 : memref<32x1024xf32, #tpu.memory_space<vmem>>)
    %scan3A_137 = arith.constant 0 : i32
    %scan3A_138 = arith.constant 0 : i32
    %scan3A_139 = arith.constant 32 : i32
    %scan3A_140 = arith.addi %scan3A_138, %scan3A_139 : i32
    %scan3A_141 = arith.constant 1 : i32
    scf.for %scan3A_240 = %scan3A_138 to %scan3A_140 step %scan3A_141  : i32 {
      %mul3A_241 = arith.constant 16 : i32
      %mul3A_242 = arith.muli %scan3A_240, %mul3A_241 : i32
      %add3A_243 = arith.constant 512 : i32
      %add3A_244 = arith.addi %add3A_243, %mul3A_242 : i32
      %get3A = arith.constant 0 : i32
      %get3A_245 = arith.index_cast %get3A : i32 to index
      %get3A_246 = arith.index_cast %mul3A_242 : i32 to index
      %get3A_247 = tpu.vector_load %arg7[%get3A_245, %get3A_246] {strides = array<i32>} : memref<2x512xf32, #tpu.memory_space<vmem>>, vector<1x16xf32>,
      %get3A_248 = vector.shape_cast %get3A_247 : vector<1x16xf32> to vector<16xf32>
      %get3A_249 = arith.constant 1 : i32
      %get3A_250 = arith.index_cast %get3A_249 : i32 to index
      %get3A_251 = arith.index_cast %mul3A_242 : i32 to index
      %get3A_252 = tpu.vector_load %arg7[%get3A_250, %get3A_251] {strides = array<i32>} : memref<2x512xf32, #tpu.memory_space<vmem>>, vector<1x16xf32>,
      %get3A_253 = vector.shape_cast %get3A_252 : vector<1x16xf32> to vector<16xf32>
      %parallel_loop3A = arith.constant 0 : i32
      %parallel_loop3A_254 = arith.constant 32 : i32
      %parallel_loop3A_255 = arith.constant 1 : i32
      scf.for %parallel_loop3A_256 = %parallel_loop3A to %parallel_loop3A_254 step %parallel_loop3A_255  : i32 {
        %parallel_loop3A_257 = arith.index_cast %parallel_loop3A_256 : i32 to index
        %parallel_loop3A_258 = arith.index_cast %mul3A_242 : i32 to index
        %parallel_loop3A_259 = tpu.vector_load %arg9[%parallel_loop3A_257, %parallel_loop3A_258] {strides = array<i32>} : memref<32x1024xf32, #tpu.memory_space<vmem>>, vector<1x16xf32>,
        %parallel_loop3A_260 = vector.shape_cast %parallel_loop3A_259 : vector<1x16xf32> to vector<16xf32>
        %parallel_loop3A_261 = arith.index_cast %parallel_loop3A_256 : i32 to index
        %parallel_loop3A_262 = arith.index_cast %add3A_244 : i32 to index
        %parallel_loop3A_263 = tpu.vector_load %arg9[%parallel_loop3A_261, %parallel_loop3A_262] {strides = array<i32>} : memref<32x1024xf32, #tpu.memory_space<vmem>>, vector<1x16xf32>,
        %parallel_loop3A_264 = vector.shape_cast %parallel_loop3A_263 : vector<1x16xf32> to vector<16xf32>
        %parallel_loop3A_265 = arith.mulf %parallel_loop3A_260, %get3A_248 : vector<16xf32>
        %parallel_loop3A_266 = arith.mulf %parallel_loop3A_264, %get3A_253 : vector<16xf32>
        %parallel_loop3A_267 = arith.subf %parallel_loop3A_265, %parallel_loop3A_266 : vector<16xf32>
        %parallel_loop3A_268 = arith.index_cast %parallel_loop3A_256 : i32 to index
        %parallel_loop3A_269 = arith.index_cast %mul3A_242 : i32 to index
        %parallel_loop3A_270 = tpu.vector_load %arg9[%parallel_loop3A_268, %parallel_loop3A_269] {strides = array<i32>} : memref<32x1024xf32, #tpu.memory_space<vmem>>, vector<1x16xf32>,
        %parallel_loop3A_271 = vector.shape_cast %parallel_loop3A_270 : vector<1x16xf32> to vector<16xf32>
        %parallel_loop3A_272 = vector.shape_cast %parallel_loop3A_267 : vector<16xf32> to vector<1x16xf32>
        tpu.vector_store %arg9[%parallel_loop3A_268, %parallel_loop3A_269], %parallel_loop3A_272 {strides = array<i32>} : memref<32x1024xf32, #tpu.memory_space<vmem>>, vector<1x16xf32>,
        %parallel_loop3A_273 = arith.mulf %parallel_loop3A_260, %get3A_253 : vector<16xf32>
        %parallel_loop3A_274 = arith.mulf %parallel_loop3A_264, %get3A_248 : vector<16xf32>
        %parallel_loop3A_275 = arith.addf %parallel_loop3A_273, %parallel_loop3A_274 : vector<16xf32>
        %parallel_loop3A_276 = arith.index_cast %parallel_loop3A_256 : i32 to index
        %parallel_loop3A_277 = arith.index_cast %add3A_244 : i32 to index
        %parallel_loop3A_278 = tpu.vector_load %arg9[%parallel_loop3A_276, %parallel_loop3A_277] {strides = array<i32>} : memref<32x1024xf32, #tpu.memory_space<vmem>>, vector<1x16xf32>,
        %parallel_loop3A_279 = vector.shape_cast %parallel_loop3A_278 : vector<1x16xf32> to vector<16xf32>
        %parallel_loop3A_280 = vector.shape_cast %parallel_loop3A_275 : vector<16xf32> to vector<1x16xf32>
        tpu.vector_store %arg9[%parallel_loop3A_276, %parallel_loop3A_277], %parallel_loop3A_280 {strides = array<i32>} : memref<32x1024xf32, #tpu.memory_space<vmem>>, vector<1x16xf32>,
      } {sc.loop_unroll_factor = 4 : i64, sc.parallel_access}
    }
    %scan3A_142 = arith.constant 32 : i32
    %add3A_143 = arith.constant 128 : i32
    %add3A_144 = arith.addi %mul3A_2, %add3A_143 : i32
    %dma_start3A_145 = arith.constant 0 : i32
    %dma_start3A_146 = tpu.memref_slice %arg5[%add3A_144, %dma_start3A_145] : memref<8192x1024xf32, #tpu.memory_space<hbm>> -> memref<32x1024xf32, #tpu.memory_space<hbm>>
    %dma_start3A_147 = arith.constant 0 : i32
    %dma_start3A_148 = tpu.memref_slice %arg5[%add3A_144, %dma_start3A_147] : memref<8192x1024xf32, #tpu.memory_space<hbm>> -> memref<32x1024xf32, #tpu.memory_space<hbm>>
    tpu.enqueue_dma source(%arg9 : memref<32x1024xf32, #tpu.memory_space<vmem>>) target(%dma_start3A_148 : memref<32x1024xf32, #tpu.memory_space<hbm>>) target_semaphore(%arg15 : memref<!tpu.dma_semaphore, #tpu.memory_space<semaphore_mem>>)
    %dma_wait3A_149 = arith.constant 0 : i32
    %dma_wait3A_150 = tpu.memref_slice %arg5[%add3A_114, %dma_wait3A_149] : memref<8192x1024xf32, #tpu.memory_space<hbm>> -> memref<32x1024xf32, #tpu.memory_space<hbm>>
    %dma_wait3A_151 = arith.constant 0 : i32
    %dma_wait3A_152 = tpu.memref_slice %arg5[%add3A_114, %dma_wait3A_151] : memref<8192x1024xf32, #tpu.memory_space<hbm>> -> memref<32x1024xf32, #tpu.memory_space<hbm>>
    tpu.wait_dma2 semaphore(%arg14 : memref<!tpu.dma_semaphore, #tpu.memory_space<semaphore_mem>>) src(%arg8 : memref<32x1024xf32, #tpu.memory_space<vmem>>) dst(%dma_wait3A_152 : memref<32x1024xf32, #tpu.memory_space<hbm>>)
    %dma_start3A_153 = arith.constant 6 : i32
    %dma_start3A_154 = arith.constant 0 : i32
    %dma_start3A_155 = tpu.memref_slice %arg6[%dma_start3A_153, %dma_start3A_154] : memref<8x32xi32, #tpu.memory_space<vmem>> -> memref<1x32xi32, #tpu.memory_space<vmem>>
    %dma_start3A_156 = tpu.memref_squeeze %dma_start3A_155 : memref<1x32xi32, #tpu.memory_space<vmem>> -> memref<32xi32, #tpu.memory_space<vmem>>
    %dma_start3A_157 = arith.constant 0 : i32
    %dma_start3A_158 = arith.constant 0 : i32
    %dma_start3A_159 = tpu.memref_slice %arg2[%dma_start3A_157, %dma_start3A_158] : memref<100000x1024xf32, #tpu.memory_space<hbm>> -> memref<100000x1024xf32, #tpu.memory_space<hbm>>
    tpu.enqueue_indirect_dma source(%dma_start3A_159 : memref<100000x1024xf32, #tpu.memory_space<hbm>>) target(%arg8 : memref<32x1024xf32, #tpu.memory_space<vmem>>) offsets(%dma_start3A_156 : memref<32xi32, #tpu.memory_space<vmem>>) semaphore(%arg11 : memref<!tpu.dma_semaphore, #tpu.memory_space<semaphore_mem>>)
    %dma_wait3A_160 = arith.constant 5 : i32
    %dma_wait3A_161 = arith.constant 0 : i32
    %dma_wait3A_162 = tpu.memref_slice %arg6[%dma_wait3A_160, %dma_wait3A_161] : memref<8x32xi32, #tpu.memory_space<vmem>> -> memref<1x32xi32, #tpu.memory_space<vmem>>
    %dma_wait3A_163 = tpu.memref_squeeze %dma_wait3A_162 : memref<1x32xi32, #tpu.memory_space<vmem>> -> memref<32xi32, #tpu.memory_space<vmem>>
    %dma_wait3A_164 = arith.constant 0 : i32
    %dma_wait3A_165 = arith.constant 0 : i32
    %dma_wait3A_166 = tpu.memref_slice %arg2[%dma_wait3A_164, %dma_wait3A_165] : memref<100000x1024xf32, #tpu.memory_space<hbm>> -> memref<100000x1024xf32, #tpu.memory_space<hbm>>
    tpu.wait_indirect_dma semaphore(%arg13 : memref<!tpu.dma_semaphore, #tpu.memory_space<semaphore_mem>>) src(%dma_wait3A_166 : memref<100000x1024xf32, #tpu.memory_space<hbm>>) dst(%arg10 : memref<32x1024xf32, #tpu.memory_space<vmem>>)
    %scan3A_167 = arith.constant 0 : i32
    %scan3A_168 = arith.constant 0 : i32
    %scan3A_169 = arith.constant 32 : i32
    %scan3A_170 = arith.addi %scan3A_168, %scan3A_169 : i32
    %scan3A_171 = arith.constant 1 : i32
    scf.for %scan3A_240 = %scan3A_168 to %scan3A_170 step %scan3A_171  : i32 {
      %mul3A_241 = arith.constant 16 : i32
      %mul3A_242 = arith.muli %scan3A_240, %mul3A_241 : i32
      %add3A_243 = arith.constant 512 : i32
      %add3A_244 = arith.addi %add3A_243, %mul3A_242 : i32
      %get3A = arith.constant 0 : i32
      %get3A_245 = arith.index_cast %get3A : i32 to index
      %get3A_246 = arith.index_cast %mul3A_242 : i32 to index
      %get3A_247 = tpu.vector_load %arg7[%get3A_245, %get3A_246] {strides = array<i32>} : memref<2x512xf32, #tpu.memory_space<vmem>>, vector<1x16xf32>,
      %get3A_248 = vector.shape_cast %get3A_247 : vector<1x16xf32> to vector<16xf32>
      %get3A_249 = arith.constant 1 : i32
      %get3A_250 = arith.index_cast %get3A_249 : i32 to index
      %get3A_251 = arith.index_cast %mul3A_242 : i32 to index
      %get3A_252 = tpu.vector_load %arg7[%get3A_250, %get3A_251] {strides = array<i32>} : memref<2x512xf32, #tpu.memory_space<vmem>>, vector<1x16xf32>,
      %get3A_253 = vector.shape_cast %get3A_252 : vector<1x16xf32> to vector<16xf32>
      %parallel_loop3A = arith.constant 0 : i32
      %parallel_loop3A_254 = arith.constant 32 : i32
      %parallel_loop3A_255 = arith.constant 1 : i32
      scf.for %parallel_loop3A_256 = %parallel_loop3A to %parallel_loop3A_254 step %parallel_loop3A_255  : i32 {
        %parallel_loop3A_257 = arith.index_cast %parallel_loop3A_256 : i32 to index
        %parallel_loop3A_258 = arith.index_cast %mul3A_242 : i32 to index
        %parallel_loop3A_259 = tpu.vector_load %arg10[%parallel_loop3A_257, %parallel_loop3A_258] {strides = array<i32>} : memref<32x1024xf32, #tpu.memory_space<vmem>>, vector<1x16xf32>,
        %parallel_loop3A_260 = vector.shape_cast %parallel_loop3A_259 : vector<1x16xf32> to vector<16xf32>
        %parallel_loop3A_261 = arith.index_cast %parallel_loop3A_256 : i32 to index
        %parallel_loop3A_262 = arith.index_cast %add3A_244 : i32 to index
        %parallel_loop3A_263 = tpu.vector_load %arg10[%parallel_loop3A_261, %parallel_loop3A_262] {strides = array<i32>} : memref<32x1024xf32, #tpu.memory_space<vmem>>, vector<1x16xf32>,
        %parallel_loop3A_264 = vector.shape_cast %parallel_loop3A_263 : vector<1x16xf32> to vector<16xf32>
        %parallel_loop3A_265 = arith.mulf %parallel_loop3A_260, %get3A_248 : vector<16xf32>
        %parallel_loop3A_266 = arith.mulf %parallel_loop3A_264, %get3A_253 : vector<16xf32>
        %parallel_loop3A_267 = arith.subf %parallel_loop3A_265, %parallel_loop3A_266 : vector<16xf32>
        %parallel_loop3A_268 = arith.index_cast %parallel_loop3A_256 : i32 to index
        %parallel_loop3A_269 = arith.index_cast %mul3A_242 : i32 to index
        %parallel_loop3A_270 = tpu.vector_load %arg10[%parallel_loop3A_268, %parallel_loop3A_269] {strides = array<i32>} : memref<32x1024xf32, #tpu.memory_space<vmem>>, vector<1x16xf32>,
        %parallel_loop3A_271 = vector.shape_cast %parallel_loop3A_270 : vector<1x16xf32> to vector<16xf32>
        %parallel_loop3A_272 = vector.shape_cast %parallel_loop3A_267 : vector<16xf32> to vector<1x16xf32>
        tpu.vector_store %arg10[%parallel_loop3A_268, %parallel_loop3A_269], %parallel_loop3A_272 {strides = array<i32>} : memref<32x1024xf32, #tpu.memory_space<vmem>>, vector<1x16xf32>,
        %parallel_loop3A_273 = arith.mulf %parallel_loop3A_260, %get3A_253 : vector<16xf32>
        %parallel_loop3A_274 = arith.mulf %parallel_loop3A_264, %get3A_248 : vector<16xf32>
        %parallel_loop3A_275 = arith.addf %parallel_loop3A_273, %parallel_loop3A_274 : vector<16xf32>
        %parallel_loop3A_276 = arith.index_cast %parallel_loop3A_256 : i32 to index
        %parallel_loop3A_277 = arith.index_cast %add3A_244 : i32 to index
        %parallel_loop3A_278 = tpu.vector_load %arg10[%parallel_loop3A_276, %parallel_loop3A_277] {strides = array<i32>} : memref<32x1024xf32, #tpu.memory_space<vmem>>, vector<1x16xf32>,
        %parallel_loop3A_279 = vector.shape_cast %parallel_loop3A_278 : vector<1x16xf32> to vector<16xf32>
        %parallel_loop3A_280 = vector.shape_cast %parallel_loop3A_275 : vector<16xf32> to vector<1x16xf32>
        tpu.vector_store %arg10[%parallel_loop3A_276, %parallel_loop3A_277], %parallel_loop3A_280 {strides = array<i32>} : memref<32x1024xf32, #tpu.memory_space<vmem>>, vector<1x16xf32>,
      } {sc.loop_unroll_factor = 4 : i64, sc.parallel_access}
    }
    %scan3A_172 = arith.constant 32 : i32
    %add3A_173 = arith.constant 160 : i32
    %add3A_174 = arith.addi %mul3A_2, %add3A_173 : i32
    %dma_start3A_175 = arith.constant 0 : i32
    %dma_start3A_176 = tpu.memref_slice %arg5[%add3A_174, %dma_start3A_175] : memref<8192x1024xf32, #tpu.memory_space<hbm>> -> memref<32x1024xf32, #tpu.memory_space<hbm>>
    %dma_start3A_177 = arith.constant 0 : i32
    %dma_start3A_178 = tpu.memref_slice %arg5[%add3A_174, %dma_start3A_177] : memref<8192x1024xf32, #tpu.memory_space<hbm>> -> memref<32x1024xf32, #tpu.memory_space<hbm>>
    tpu.enqueue_dma source(%arg10 : memref<32x1024xf32, #tpu.memory_space<vmem>>) target(%dma_start3A_178 : memref<32x1024xf32, #tpu.memory_space<hbm>>) target_semaphore(%arg16 : memref<!tpu.dma_semaphore, #tpu.memory_space<semaphore_mem>>)
    %dma_wait3A_179 = arith.constant 0 : i32
    %dma_wait3A_180 = tpu.memref_slice %arg5[%add3A_144, %dma_wait3A_179] : memref<8192x1024xf32, #tpu.memory_space<hbm>> -> memref<32x1024xf32, #tpu.memory_space<hbm>>
    %dma_wait3A_181 = arith.constant 0 : i32
    %dma_wait3A_182 = tpu.memref_slice %arg5[%add3A_144, %dma_wait3A_181] : memref<8192x1024xf32, #tpu.memory_space<hbm>> -> memref<32x1024xf32, #tpu.memory_space<hbm>>
    tpu.wait_dma2 semaphore(%arg15 : memref<!tpu.dma_semaphore, #tpu.memory_space<semaphore_mem>>) src(%arg9 : memref<32x1024xf32, #tpu.memory_space<vmem>>) dst(%dma_wait3A_182 : memref<32x1024xf32, #tpu.memory_space<hbm>>)
    %dma_start3A_183 = arith.constant 7 : i32
    %dma_start3A_184 = arith.constant 0 : i32
    %dma_start3A_185 = tpu.memref_slice %arg6[%dma_start3A_183, %dma_start3A_184] : memref<8x32xi32, #tpu.memory_space<vmem>> -> memref<1x32xi32, #tpu.memory_space<vmem>>
    %dma_start3A_186 = tpu.memref_squeeze %dma_start3A_185 : memref<1x32xi32, #tpu.memory_space<vmem>> -> memref<32xi32, #tpu.memory_space<vmem>>
    %dma_start3A_187 = arith.constant 0 : i32
    %dma_start3A_188 = arith.constant 0 : i32
    %dma_start3A_189 = tpu.memref_slice %arg2[%dma_start3A_187, %dma_start3A_188] : memref<100000x1024xf32, #tpu.memory_space<hbm>> -> memref<100000x1024xf32, #tpu.memory_space<hbm>>
    tpu.enqueue_indirect_dma source(%dma_start3A_189 : memref<100000x1024xf32, #tpu.memory_space<hbm>>) target(%arg9 : memref<32x1024xf32, #tpu.memory_space<vmem>>) offsets(%dma_start3A_186 : memref<32xi32, #tpu.memory_space<vmem>>) semaphore(%arg12 : memref<!tpu.dma_semaphore, #tpu.memory_space<semaphore_mem>>)
    %dma_wait3A_190 = arith.constant 6 : i32
    %dma_wait3A_191 = arith.constant 0 : i32
    %dma_wait3A_192 = tpu.memref_slice %arg6[%dma_wait3A_190, %dma_wait3A_191] : memref<8x32xi32, #tpu.memory_space<vmem>> -> memref<1x32xi32, #tpu.memory_space<vmem>>
    %dma_wait3A_193 = tpu.memref_squeeze %dma_wait3A_192 : memref<1x32xi32, #tpu.memory_space<vmem>> -> memref<32xi32, #tpu.memory_space<vmem>>
    %dma_wait3A_194 = arith.constant 0 : i32
    %dma_wait3A_195 = arith.constant 0 : i32
    %dma_wait3A_196 = tpu.memref_slice %arg2[%dma_wait3A_194, %dma_wait3A_195] : memref<100000x1024xf32, #tpu.memory_space<hbm>> -> memref<100000x1024xf32, #tpu.memory_space<hbm>>
    tpu.wait_indirect_dma semaphore(%arg11 : memref<!tpu.dma_semaphore, #tpu.memory_space<semaphore_mem>>) src(%dma_wait3A_196 : memref<100000x1024xf32, #tpu.memory_space<hbm>>) dst(%arg8 : memref<32x1024xf32, #tpu.memory_space<vmem>>)
    %scan3A_197 = arith.constant 0 : i32
    %scan3A_198 = arith.constant 0 : i32
    %scan3A_199 = arith.constant 32 : i32
    %scan3A_200 = arith.addi %scan3A_198, %scan3A_199 : i32
    %scan3A_201 = arith.constant 1 : i32
    scf.for %scan3A_240 = %scan3A_198 to %scan3A_200 step %scan3A_201  : i32 {
      %mul3A_241 = arith.constant 16 : i32
      %mul3A_242 = arith.muli %scan3A_240, %mul3A_241 : i32
      %add3A_243 = arith.constant 512 : i32
      %add3A_244 = arith.addi %add3A_243, %mul3A_242 : i32
      %get3A = arith.constant 0 : i32
      %get3A_245 = arith.index_cast %get3A : i32 to index
      %get3A_246 = arith.index_cast %mul3A_242 : i32 to index
      %get3A_247 = tpu.vector_load %arg7[%get3A_245, %get3A_246] {strides = array<i32>} : memref<2x512xf32, #tpu.memory_space<vmem>>, vector<1x16xf32>,
      %get3A_248 = vector.shape_cast %get3A_247 : vector<1x16xf32> to vector<16xf32>
      %get3A_249 = arith.constant 1 : i32
      %get3A_250 = arith.index_cast %get3A_249 : i32 to index
      %get3A_251 = arith.index_cast %mul3A_242 : i32 to index
      %get3A_252 = tpu.vector_load %arg7[%get3A_250, %get3A_251] {strides = array<i32>} : memref<2x512xf32, #tpu.memory_space<vmem>>, vector<1x16xf32>,
      %get3A_253 = vector.shape_cast %get3A_252 : vector<1x16xf32> to vector<16xf32>
      %parallel_loop3A = arith.constant 0 : i32
      %parallel_loop3A_254 = arith.constant 32 : i32
      %parallel_loop3A_255 = arith.constant 1 : i32
      scf.for %parallel_loop3A_256 = %parallel_loop3A to %parallel_loop3A_254 step %parallel_loop3A_255  : i32 {
        %parallel_loop3A_257 = arith.index_cast %parallel_loop3A_256 : i32 to index
        %parallel_loop3A_258 = arith.index_cast %mul3A_242 : i32 to index
        %parallel_loop3A_259 = tpu.vector_load %arg8[%parallel_loop3A_257, %parallel_loop3A_258] {strides = array<i32>} : memref<32x1024xf32, #tpu.memory_space<vmem>>, vector<1x16xf32>,
        %parallel_loop3A_260 = vector.shape_cast %parallel_loop3A_259 : vector<1x16xf32> to vector<16xf32>
        %parallel_loop3A_261 = arith.index_cast %parallel_loop3A_256 : i32 to index
        %parallel_loop3A_262 = arith.index_cast %add3A_244 : i32 to index
        %parallel_loop3A_263 = tpu.vector_load %arg8[%parallel_loop3A_261, %parallel_loop3A_262] {strides = array<i32>} : memref<32x1024xf32, #tpu.memory_space<vmem>>, vector<1x16xf32>,
        %parallel_loop3A_264 = vector.shape_cast %parallel_loop3A_263 : vector<1x16xf32> to vector<16xf32>
        %parallel_loop3A_265 = arith.mulf %parallel_loop3A_260, %get3A_248 : vector<16xf32>
        %parallel_loop3A_266 = arith.mulf %parallel_loop3A_264, %get3A_253 : vector<16xf32>
        %parallel_loop3A_267 = arith.subf %parallel_loop3A_265, %parallel_loop3A_266 : vector<16xf32>
        %parallel_loop3A_268 = arith.index_cast %parallel_loop3A_256 : i32 to index
        %parallel_loop3A_269 = arith.index_cast %mul3A_242 : i32 to index
        %parallel_loop3A_270 = tpu.vector_load %arg8[%parallel_loop3A_268, %parallel_loop3A_269] {strides = array<i32>} : memref<32x1024xf32, #tpu.memory_space<vmem>>, vector<1x16xf32>,
        %parallel_loop3A_271 = vector.shape_cast %parallel_loop3A_270 : vector<1x16xf32> to vector<16xf32>
        %parallel_loop3A_272 = vector.shape_cast %parallel_loop3A_267 : vector<16xf32> to vector<1x16xf32>
        tpu.vector_store %arg8[%parallel_loop3A_268, %parallel_loop3A_269], %parallel_loop3A_272 {strides = array<i32>} : memref<32x1024xf32, #tpu.memory_space<vmem>>, vector<1x16xf32>,
        %parallel_loop3A_273 = arith.mulf %parallel_loop3A_260, %get3A_253 : vector<16xf32>
        %parallel_loop3A_274 = arith.mulf %parallel_loop3A_264, %get3A_248 : vector<16xf32>
        %parallel_loop3A_275 = arith.addf %parallel_loop3A_273, %parallel_loop3A_274 : vector<16xf32>
        %parallel_loop3A_276 = arith.index_cast %parallel_loop3A_256 : i32 to index
        %parallel_loop3A_277 = arith.index_cast %add3A_244 : i32 to index
        %parallel_loop3A_278 = tpu.vector_load %arg8[%parallel_loop3A_276, %parallel_loop3A_277] {strides = array<i32>} : memref<32x1024xf32, #tpu.memory_space<vmem>>, vector<1x16xf32>,
        %parallel_loop3A_279 = vector.shape_cast %parallel_loop3A_278 : vector<1x16xf32> to vector<16xf32>
        %parallel_loop3A_280 = vector.shape_cast %parallel_loop3A_275 : vector<16xf32> to vector<1x16xf32>
        tpu.vector_store %arg8[%parallel_loop3A_276, %parallel_loop3A_277], %parallel_loop3A_280 {strides = array<i32>} : memref<32x1024xf32, #tpu.memory_space<vmem>>, vector<1x16xf32>,
      } {sc.loop_unroll_factor = 4 : i64, sc.parallel_access}
    }
    %scan3A_202 = arith.constant 32 : i32
    %add3A_203 = arith.constant 192 : i32
    %add3A_204 = arith.addi %mul3A_2, %add3A_203 : i32
    %dma_start3A_205 = arith.constant 0 : i32
    %dma_start3A_206 = tpu.memref_slice %arg5[%add3A_204, %dma_start3A_205] : memref<8192x1024xf32, #tpu.memory_space<hbm>> -> memref<32x1024xf32, #tpu.memory_space<hbm>>
    %dma_start3A_207 = arith.constant 0 : i32
    %dma_start3A_208 = tpu.memref_slice %arg5[%add3A_204, %dma_start3A_207] : memref<8192x1024xf32, #tpu.memory_space<hbm>> -> memref<32x1024xf32, #tpu.memory_space<hbm>>
    tpu.enqueue_dma source(%arg8 : memref<32x1024xf32, #tpu.memory_space<vmem>>) target(%dma_start3A_208 : memref<32x1024xf32, #tpu.memory_space<hbm>>) target_semaphore(%arg14 : memref<!tpu.dma_semaphore, #tpu.memory_space<semaphore_mem>>)
    %dma_wait3A_209 = arith.constant 7 : i32
    %dma_wait3A_210 = arith.constant 0 : i32
    %dma_wait3A_211 = tpu.memref_slice %arg6[%dma_wait3A_209, %dma_wait3A_210] : memref<8x32xi32, #tpu.memory_space<vmem>> -> memref<1x32xi32, #tpu.memory_space<vmem>>
    %dma_wait3A_212 = tpu.memref_squeeze %dma_wait3A_211 : memref<1x32xi32, #tpu.memory_space<vmem>> -> memref<32xi32, #tpu.memory_space<vmem>>
    %dma_wait3A_213 = arith.constant 0 : i32
    %dma_wait3A_214 = arith.constant 0 : i32
    %dma_wait3A_215 = tpu.memref_slice %arg2[%dma_wait3A_213, %dma_wait3A_214] : memref<100000x1024xf32, #tpu.memory_space<hbm>> -> memref<100000x1024xf32, #tpu.memory_space<hbm>>
    tpu.wait_indirect_dma semaphore(%arg12 : memref<!tpu.dma_semaphore, #tpu.memory_space<semaphore_mem>>) src(%dma_wait3A_215 : memref<100000x1024xf32, #tpu.memory_space<hbm>>) dst(%arg9 : memref<32x1024xf32, #tpu.memory_space<vmem>>)
    %scan3A_216 = arith.constant 0 : i32
    %scan3A_217 = arith.constant 0 : i32
    %scan3A_218 = arith.constant 32 : i32
    %scan3A_219 = arith.addi %scan3A_217, %scan3A_218 : i32
    %scan3A_220 = arith.constant 1 : i32
    scf.for %scan3A_240 = %scan3A_217 to %scan3A_219 step %scan3A_220  : i32 {
      %mul3A_241 = arith.constant 16 : i32
      %mul3A_242 = arith.muli %scan3A_240, %mul3A_241 : i32
      %add3A_243 = arith.constant 512 : i32
      %add3A_244 = arith.addi %add3A_243, %mul3A_242 : i32
      %get3A = arith.constant 0 : i32
      %get3A_245 = arith.index_cast %get3A : i32 to index
      %get3A_246 = arith.index_cast %mul3A_242 : i32 to index
      %get3A_247 = tpu.vector_load %arg7[%get3A_245, %get3A_246] {strides = array<i32>} : memref<2x512xf32, #tpu.memory_space<vmem>>, vector<1x16xf32>,
      %get3A_248 = vector.shape_cast %get3A_247 : vector<1x16xf32> to vector<16xf32>
      %get3A_249 = arith.constant 1 : i32
      %get3A_250 = arith.index_cast %get3A_249 : i32 to index
      %get3A_251 = arith.index_cast %mul3A_242 : i32 to index
      %get3A_252 = tpu.vector_load %arg7[%get3A_250, %get3A_251] {strides = array<i32>} : memref<2x512xf32, #tpu.memory_space<vmem>>, vector<1x16xf32>,
      %get3A_253 = vector.shape_cast %get3A_252 : vector<1x16xf32> to vector<16xf32>
      %parallel_loop3A = arith.constant 0 : i32
      %parallel_loop3A_254 = arith.constant 32 : i32
      %parallel_loop3A_255 = arith.constant 1 : i32
      scf.for %parallel_loop3A_256 = %parallel_loop3A to %parallel_loop3A_254 step %parallel_loop3A_255  : i32 {
        %parallel_loop3A_257 = arith.index_cast %parallel_loop3A_256 : i32 to index
        %parallel_loop3A_258 = arith.index_cast %mul3A_242 : i32 to index
        %parallel_loop3A_259 = tpu.vector_load %arg9[%parallel_loop3A_257, %parallel_loop3A_258] {strides = array<i32>} : memref<32x1024xf32, #tpu.memory_space<vmem>>, vector<1x16xf32>,
        %parallel_loop3A_260 = vector.shape_cast %parallel_loop3A_259 : vector<1x16xf32> to vector<16xf32>
        %parallel_loop3A_261 = arith.index_cast %parallel_loop3A_256 : i32 to index
        %parallel_loop3A_262 = arith.index_cast %add3A_244 : i32 to index
        %parallel_loop3A_263 = tpu.vector_load %arg9[%parallel_loop3A_261, %parallel_loop3A_262] {strides = array<i32>} : memref<32x1024xf32, #tpu.memory_space<vmem>>, vector<1x16xf32>,
        %parallel_loop3A_264 = vector.shape_cast %parallel_loop3A_263 : vector<1x16xf32> to vector<16xf32>
        %parallel_loop3A_265 = arith.mulf %parallel_loop3A_260, %get3A_248 : vector<16xf32>
        %parallel_loop3A_266 = arith.mulf %parallel_loop3A_264, %get3A_253 : vector<16xf32>
        %parallel_loop3A_267 = arith.subf %parallel_loop3A_265, %parallel_loop3A_266 : vector<16xf32>
        %parallel_loop3A_268 = arith.index_cast %parallel_loop3A_256 : i32 to index
        %parallel_loop3A_269 = arith.index_cast %mul3A_242 : i32 to index
        %parallel_loop3A_270 = tpu.vector_load %arg9[%parallel_loop3A_268, %parallel_loop3A_269] {strides = array<i32>} : memref<32x1024xf32, #tpu.memory_space<vmem>>, vector<1x16xf32>,
        %parallel_loop3A_271 = vector.shape_cast %parallel_loop3A_270 : vector<1x16xf32> to vector<16xf32>
        %parallel_loop3A_272 = vector.shape_cast %parallel_loop3A_267 : vector<16xf32> to vector<1x16xf32>
        tpu.vector_store %arg9[%parallel_loop3A_268, %parallel_loop3A_269], %parallel_loop3A_272 {strides = array<i32>} : memref<32x1024xf32, #tpu.memory_space<vmem>>, vector<1x16xf32>,
        %parallel_loop3A_273 = arith.mulf %parallel_loop3A_260, %get3A_253 : vector<16xf32>
        %parallel_loop3A_274 = arith.mulf %parallel_loop3A_264, %get3A_248 : vector<16xf32>
        %parallel_loop3A_275 = arith.addf %parallel_loop3A_273, %parallel_loop3A_274 : vector<16xf32>
        %parallel_loop3A_276 = arith.index_cast %parallel_loop3A_256 : i32 to index
        %parallel_loop3A_277 = arith.index_cast %add3A_244 : i32 to index
        %parallel_loop3A_278 = tpu.vector_load %arg9[%parallel_loop3A_276, %parallel_loop3A_277] {strides = array<i32>} : memref<32x1024xf32, #tpu.memory_space<vmem>>, vector<1x16xf32>,
        %parallel_loop3A_279 = vector.shape_cast %parallel_loop3A_278 : vector<1x16xf32> to vector<16xf32>
        %parallel_loop3A_280 = vector.shape_cast %parallel_loop3A_275 : vector<16xf32> to vector<1x16xf32>
        tpu.vector_store %arg9[%parallel_loop3A_276, %parallel_loop3A_277], %parallel_loop3A_280 {strides = array<i32>} : memref<32x1024xf32, #tpu.memory_space<vmem>>, vector<1x16xf32>,
      } {sc.loop_unroll_factor = 4 : i64, sc.parallel_access}
    }
    %scan3A_221 = arith.constant 32 : i32
    %add3A_222 = arith.constant 224 : i32
    %add3A_223 = arith.addi %mul3A_2, %add3A_222 : i32
    %dma_start3A_224 = arith.constant 0 : i32
    %dma_start3A_225 = tpu.memref_slice %arg5[%add3A_223, %dma_start3A_224] : memref<8192x1024xf32, #tpu.memory_space<hbm>> -> memref<32x1024xf32, #tpu.memory_space<hbm>>
    %dma_start3A_226 = arith.constant 0 : i32
    %dma_start3A_227 = tpu.memref_slice %arg5[%add3A_223, %dma_start3A_226] : memref<8192x1024xf32, #tpu.memory_space<hbm>> -> memref<32x1024xf32, #tpu.memory_space<hbm>>
    tpu.enqueue_dma source(%arg9 : memref<32x1024xf32, #tpu.memory_space<vmem>>) target(%dma_start3A_227 : memref<32x1024xf32, #tpu.memory_space<hbm>>) target_semaphore(%arg15 : memref<!tpu.dma_semaphore, #tpu.memory_space<semaphore_mem>>)
    %dma_wait3A_228 = arith.constant 0 : i32
    %dma_wait3A_229 = tpu.memref_slice %arg5[%add3A_174, %dma_wait3A_228] : memref<8192x1024xf32, #tpu.memory_space<hbm>> -> memref<32x1024xf32, #tpu.memory_space<hbm>>
    %dma_wait3A_230 = arith.constant 0 : i32
    %dma_wait3A_231 = tpu.memref_slice %arg5[%add3A_174, %dma_wait3A_230] : memref<8192x1024xf32, #tpu.memory_space<hbm>> -> memref<32x1024xf32, #tpu.memory_space<hbm>>
    tpu.wait_dma2 semaphore(%arg16 : memref<!tpu.dma_semaphore, #tpu.memory_space<semaphore_mem>>) src(%arg10 : memref<32x1024xf32, #tpu.memory_space<vmem>>) dst(%dma_wait3A_231 : memref<32x1024xf32, #tpu.memory_space<hbm>>)
    %dma_wait3A_232 = arith.constant 0 : i32
    %dma_wait3A_233 = tpu.memref_slice %arg5[%add3A_204, %dma_wait3A_232] : memref<8192x1024xf32, #tpu.memory_space<hbm>> -> memref<32x1024xf32, #tpu.memory_space<hbm>>
    %dma_wait3A_234 = arith.constant 0 : i32
    %dma_wait3A_235 = tpu.memref_slice %arg5[%add3A_204, %dma_wait3A_234] : memref<8192x1024xf32, #tpu.memory_space<hbm>> -> memref<32x1024xf32, #tpu.memory_space<hbm>>
    tpu.wait_dma2 semaphore(%arg14 : memref<!tpu.dma_semaphore, #tpu.memory_space<semaphore_mem>>) src(%arg8 : memref<32x1024xf32, #tpu.memory_space<vmem>>) dst(%dma_wait3A_235 : memref<32x1024xf32, #tpu.memory_space<hbm>>)
    %dma_wait3A_236 = arith.constant 0 : i32
    %dma_wait3A_237 = tpu.memref_slice %arg5[%add3A_223, %dma_wait3A_236] : memref<8192x1024xf32, #tpu.memory_space<hbm>> -> memref<32x1024xf32, #tpu.memory_space<hbm>>
    %dma_wait3A_238 = arith.constant 0 : i32
    %dma_wait3A_239 = tpu.memref_slice %arg5[%add3A_223, %dma_wait3A_238] : memref<8192x1024xf32, #tpu.memory_space<hbm>> -> memref<32x1024xf32, #tpu.memory_space<hbm>>
    tpu.wait_dma2 semaphore(%arg15 : memref<!tpu.dma_semaphore, #tpu.memory_space<semaphore_mem>>) src(%arg9 : memref<32x1024xf32, #tpu.memory_space<vmem>>) dst(%dma_wait3A_239 : memref<32x1024xf32, #tpu.memory_space<hbm>>)
    return
  }
}

</mosaic_0001>

<sc_bundles>
// kernel: kernel.3.cloned.1.call-start
scs
__scs_entry_jumppad:
0x0: {  	(pc) =	sbr.rel $0x88, $3  }
0x1: {  	(tag) =	ssettag $0x0;
	lr =	simm.s32 $0x1  }
0x2: {  	[smem:$0x3F9F] =	sst lr;
	_ =	strace $0xD0000000  }
0x3: {  	_ = 	snop  }
0x4: {  	_ = 	snop  }
0x5: {  	_ = 	snop  }
0x6: {  	_ = 	snop  }
0x7: {  	_ = 	snop  }
__scs_overlays_trampoline_lowered:
0x8: {  	[smem:$0x3FAE] =	sst s0  }
0x9: {  	[smem:$0x3FAF] =	sst s1  }
0xa: {  	[smem:$0x3FB0] =	sst s2  }
0xb: {  	[smem:$0x3FB1] =	sst s3  }
0xc: {  	[smem:$0x3FB2] =	sst s4  }
0xd: {  	[smem:$0x3FB3] =	sst s5  }
0xe: {  	[smem:$0x3FB4] =	sst s6  }
0xf: {  	[smem:$0x3FB5] =	sst s7  }
0x10: {  	[smem:$0x3FB6] =	sst s8  }
0x11: {  	[smem:$0x3FB7] =	sst s9;
	s0 =	simm.s32 @!p0 $0x0  }
0x12: {  	s1 =	sld [smem:$0x3F9D];
	s0 =	simm.s32 @p0 $0x1  }
0x13: {  	[smem:$0x3FB8] =	sst s0;
	s0 =	simm.s32 @!p1 $0x0  }
0x14: {  	s2 =	sld [smem:$0x3F9C];
	s0 =	simm.s32 @p1 $0x1  }
0x15: {  	[smem:$0x3FB9] =	sst s0;
	s0 =	simm.s32 @!p2 $0x0  }
0x16: {  	s3 =	sld [smem:$0x3FDB];
	s0 =	simm.s32 @p2 $0x1  }
0x17: {  	s4 =	simm.s32 $0x1BF5;
	[smem:$0x3FBB] =	sst s0  }
0x18: {  	s0 =	sld [smem:$0x3F9E];
	_ =	swait.ge [sflag:s4], $0x0  }
0x19: {  	s7 =	sld [smem:$0x3F9F]  }
0x1a: {  	s8 =	sadd.s32 $0xFFFFE003, lr  }
0x1b: {  	s9 =	sadd.s32 $0xFFFFFEF7, lr;
	s5 =	simm.s32 $0xFFFFFFFF;
	p2 =	slt.u32 s8, $0xFFFFF086  }
0x1c: {  	p1 =	slt.u32 s9, $0xF7A;
	s5 =	simm.s32 @!p2 $0x0  }
0x1d: {  	s5 =	simm.s32 @p1 $0x1;
	p0 =	seq.s32 s7, s2  }
0x1e: {  	s7 =	smul.u32 @!p0 $0xF7A, s2;
	p2 =	seq.s32 @!p0 s5, $0x0  }
0x1f: {  	s9 =	smul.u32 $0xF7A, s1;
	s8 =	simm.s32 @!p0 $0x1BF5;
	p2 =	por !p2, p0  }
0x20: {  	[sflag:s8] =	ssyncset.s32 @!p0 $0xFFFFF086;
	s6 =	sadd.s32 @!p0 s3, s7;
	s7 =	simm.s32 @!p0 $0x108  }
0x21: {  	s3 =	sadd.s32 s3, s9;
	s6 =	sadd.s32 @!p0 $0x88, s6;
	s7 =	simm.s32 @p2 $0x1082  }
0x22: {  	[simem:s7], [sflag:s8] =	dma.local @!p0 [hbm:s6], $0xF7A  }
0x23: {  	s9 =	sor.u32 $0xD0000000, s2;
	s6 =	simm.s32 $0x108;
	_ =	swait.ge @!p0 [sflag:s8], $0x0  }
0x24: {  	s3 =	sadd.s32 $0x88, s3;
	s6 =	simm.s32 @!p1 $0x1082;
	[sflag:s4] =	ssyncset.s32 $0xFFFFF086  }
0x25: {  	[simem:s6], [sflag:s4] =	dma.local [hbm:s3], $0xF7A  }
0x26: {  	[smem:$0x3F9F] =	sst s1;
	(tag) =	ssettag s2;
	_ =	strace s9  }
0x27: {  	s1 =	sld [smem:$0x3FAF]  }
0x28: {  	s2 =	sld [smem:$0x3FB0]  }
0x29: {  	s4 =	sld [smem:$0x3FB2]  }
0x2a: {  	p0 =	seq.s32 s5, $0x0;
	s5 =	sld [smem:$0x3FB3]  }
0x2b: {  	s6 =	sld [smem:$0x3FB4]  }
0x2c: {  	s7 =	sld [smem:$0x3FB5]  }
0x2d: {  	s3 =	simm.s32 $0x108;
	s8 =	sld [smem:$0x3FB6]  }
0x2e: {  	s3 =	simm.s32 @!p0 $0x1082;
	s9 =	sld [smem:$0x3FB7]  }
0x2f: {  	lr =	sadd.s32 s0, s3;
	s0 =	sld [smem:$0x3FAE]  }
0x30: {  	s3 =	sld [smem:$0x3FB1]  }
0x31: {  	[smem:$0x3FBA] =	sst s10  }
0x32: {  	s10 =	sld [smem:$0x3FB8];
	_ =	sdelay $0x3  }
0x33: {  	p0 =	seq.s32 s10, $0x1;
	s10 =	sld [smem:$0x3FBA];
	_ =	sdelay $0x3  }
0x34: {  	[smem:$0x3FBA] =	sst s10  }
0x35: {  	s10 =	sld [smem:$0x3FB9];
	_ =	sdelay $0x3  }
0x36: {  	p1 =	seq.s32 s10, $0x1;
	s10 =	sld [smem:$0x3FBA];
	_ =	sdelay $0x3  }
0x37: {  	[smem:$0x3FBA] =	sst s10  }
0x38: {  	s10 =	sld [smem:$0x3FBB]  }
0x39: {  	_ = 	snop;
	(pc) =	sbr.ind lr, $3  }
0x3a: {  	_ = 	snop  }
0x3b: {  	_ = 	snop  }
0x3c: {  	p2 =	seq.s32 s10, $0x1;
	s10 =	sld [smem:$0x3FBA]  }
0x3d: {  	_ =	shalt  }
0x3e: {  	_ =	shalt  }
0x3f: {  	_ =	shalt  }
0x40: {  	_ =	shalt  }
0x41: {  	_ =	shalt  }
0x42: {  	_ =	shalt  }
0x43: {  	_ =	shalt  }
0x44: {  	_ =	shalt  }
0x45: {  	_ =	shalt  }
0x46: {  	_ =	shalt  }
0x47: {  	_ =	shalt  }
0x48: {  	_ =	shalt  }
0x49: {  	_ =	shalt  }
0x4a: {  	_ =	shalt  }
0x4b: {  	_ =	shalt  }
0x4c: {  	_ =	shalt  }
0x4d: {  	_ =	shalt  }
0x4e: {  	_ =	shalt  }
0x4f: {  	_ =	shalt  }
0x50: {  	_ =	shalt  }
0x51: {  	_ =	shalt  }
0x52: {  	_ =	shalt  }
0x53: {  	_ =	shalt  }
0x54: {  	_ =	shalt  }
0x55: {  	_ =	shalt  }
0x56: {  	_ =	shalt  }
0x57: {  	_ =	shalt  }
0x58: {  	_ =	shalt  }
0x59: {  	_ =	shalt  }
0x5a: {  	_ =	shalt  }
0x5b: {  	_ =	shalt  }
0x5c: {  	_ =	shalt  }
0x5d: {  	_ =	shalt  }
0x5e: {  	_ =	shalt  }
0x5f: {  	_ =	shalt  }
0x60: {  	_ =	shalt  }
0x61: {  	_ =	shalt  }
0x62: {  	_ =	shalt  }
0x63: {  	_ =	shalt  }
0x64: {  	_ =	shalt  }
0x65: {  	_ =	shalt  }
0x66: {  	_ =	shalt  }
0x67: {  	_ =	shalt  }
0x68: {  	_ =	shalt  }
0x69: {  	_ =	shalt  }
0x6a: {  	_ =	shalt  }
0x6b: {  	_ =	shalt  }
0x6c: {  	_ =	shalt  }
0x6d: {  	_ =	shalt  }
0x6e: {  	_ =	shalt  }
0x6f: {  	_ =	shalt  }
0x70: {  	_ =	shalt  }
0x71: {  	_ =	shalt  }
0x72: {  	_ =	shalt  }
0x73: {  	_ =	shalt  }
0x74: {  	_ =	shalt  }
0x75: {  	_ =	shalt  }
0x76: {  	_ =	shalt  }
0x77: {  	_ =	shalt  }
0x78: {  	_ =	shalt  }
0x79: {  	_ =	shalt  }
0x7a: {  	_ =	shalt  }
0x7b: {  	_ =	shalt  }
0x7c: {  	_ =	shalt  }
0x7d: {  	_ =	shalt  }
0x7e: {  	_ =	shalt  }
0x7f: {  	_ =	shalt  }
0x80: {  	_ =	shalt  }
0x81: {  	_ =	shalt  }
0x82: {  	_ =	shalt  }
0x83: {  	_ =	shalt  }
0x84: {  	_ =	shalt  }
0x85: {  	_ =	shalt  }
0x86: {  	_ =	shalt  }
0x87: {  	_ =	shalt  }
.Lfunc_end0:
.L_simem_size_0:
called_computation_lowered:
.L_overlay_start_0:
0x88: {  	s2 =	sld [smem:$0x3FD9]  }
0x89: {  	s3 =	sld [smem:$0x3FFE];
	_ =	sdelay $0x1  }
0x8a: {  	s1 =	srdreg.scid  }
0x8b: {  	s0 =	sand.u32 $0x1, s1  }
0x8c: {  	s17 =	sshll.u32 s0, $0xA;
	s2 =	sadd.s32 s3, s2  }
0x8d: {  	s2 =	sadd.s32 s2, s17  }
0x8e: {  	[smem:$0x3FC6] =	sst s2  }
0x8f: {  	_ = 	snop  }
0x90: {  	s2 =	sld [smem:$0x3FC8]  }
0x91: {  	s18 =	sld [smem:$0x3FD0];
	(tm) =	ssettm $0x1  }
0x92: {  	s4 =	sld [smem:$0x3FFB];
	_ =	sdelay $0x3  }
0x93: {  	_ =	strace s4  }
0x94: {  	s4 =	sld [smem:$0x3FFC];
	_ =	sdelay $0x3  }
0x95: {  	_ =	strace s4  }
0x96: {  	s4 =	sld [smem:$0x3FFD];
	_ =	sdelay $0x3  }
0x97: {  	_ =	strace s4  }
0x98: {  	_ =	strace $0x8FFFFFFF  }
0x99: {  	s19 =	sld [smem:$0x3FDB];
	_ =	sdelay $0x1  }
0x9a: {  	s5 =	simm.s32 $_scs_section_size  }
0x9b: {  	s6 =	simm.s32 $_size__tile_overlayer_lowered;
	s7 =	simm.s32 $_tile_overlayer_lowered  }
0x9c: {  	s22 =	simm.s32 $0x1BFF;
	s21 =	sshll.u32 s7, $0x1;
	s4 =	sadd.s32 s5, s19  }
0x9d: {  	s8 =	simm.s32 $0x0;
	s20 =	sshll.u32 s6, $0x1;
	s6 =	sadd.s32 s21, s4  }
0x9e: {  	[timem:s8], [sflag:s22] =	dma.local [hbm:s6], s20  }
0x9f: {  	_ =	swait.ge [sflag:s22], s20  }
0xa0: {  	s5 =	ssub.s32 $0x0, s20;
	[sflag:s22] =	ssyncset.done $0x0  }
0xa1: {  	[sflag:s22] =	ssyncadd.s32 s5;
	_ =	sdelay $0x1  }
0xa2: {  	s23 =	simm.s32 $0x1B8B  }
0xa3: {  	_ =	swait.ge [sflag:s23], $0x1  }
0xa4: {  	[sflag:s23] =	ssyncset.done $0x0  }
0xa5: {  	s25 =	simm.s32 $0x1B8E;
	s24 =	sld [smem:$0x3FFE];
	[sflag:s23] =	ssyncadd.s32 $0xFFFFFFFF  }
0xa6: {  	s26 =	simm.s32 $execute0_lowered;
	[smem:$0x3FD2] =	sst s25  }
0xa7: {  	s6 =	sshll.u32 s26, $0x1;
	_ =	strace $0x80000046;
	[dreg:$0x1] =	wrdreg $0xFFFFFFFF  }
0xa8: {  	s28 =	simm.s32 $_size_execute0_lowered;
	s4 =	sadd.s32 s4, s6;
	[dreg:$0x0] =	wrdreg $0x0  }
0xa9: {  	s6 =	sshll.u32 s28, $0x1;
	[dreg:$0x2] =	wrdreg s4  }
0xaa: {  	[dreg:$0x3] =	wrdreg s6  }
0xab: {  	[dreg:$0x4] =	wrdreg $0xC0  }
0xac: {  	_ =	task [dreg:s8], $0x5FFFF  }
0xad: {  	[dreg:$0x1] =	wrdreg $0xFFFFFFFF  }
0xae: {  	[dreg:$0x0] =	wrdreg $0x60  }
0xaf: {  	[dreg:$0x2] =	wrdreg s2  }
0xb0: {  	[dreg:$0x3] =	wrdreg s24  }
0xb1: {  	[dreg:$0x4] =	wrdreg s18  }
0xb2: {  	[dreg:$0x5] =	wrdreg $0x9  }
0xb3: {  	_ =	task.clear_ibuf [dreg:s8], $0x6FFFF;
	_ =	strace $0x90000046  }
0xb4: {  	s29 =	simm.s32 $0x9;
	_ =	strace $0x80000048  }
0xb5: {  	_ =	swait.ge [sflag:s29], $0x1  }
0xb6: {  	[sflag:s29] =	ssyncadd.s32 $0xFFFFFFFF  }
0xb7: {  	_ =	strace $0x90000048  }
0xb8: {  	_ =	sfence  }
0xb9: {  	s30 =	sld [smem:$0x0];
	_ =	sdelay $0x2  }
0xba: {  	s31 =	sshll.u32 s1, $0xD;
	s1 =	sshrl.u32 s1, $0x2  }
0xbb: {  	s3 =	sand.u32 $0x4000, s31;
	s1 =	sadd.s32 s1, s30  }
0xbc: {  	s0 =	sor.u32 s3, s0;
	s1 =	sshll.u32 s1, $0x11  }
0xbd: {  	s0 =	sor.u32 s1, s0  }
0xbe: {  	s0 =	sadd.s32 $0x8F2B, s0  }
0xbf: {  	[sflag:s0] =	ssyncadd.remote.s32 $0x1  }
0xc0: {  	_ =	sfence.sel $0xFFFF  }
0xc1: {  	[dreg:$0x0] =	wrdreg $0xFFFFFFFF;
	(pc) =	sbr.abs _section_cstart, $3  }
0xc2: {  	[dreg:$0x1] =	wrdreg $0xFFFFFFFF  }
0xc3: {  	_ =	task.clear_ibuf [dreg:s8], $0x2FFFF;
	_ =	strace $0x9FFFFFFF  }
0xc4: {  	(tm) =	ssettm $0x7FFFFFFF  }
0xc5: {  	_ =	shalt  }
tec
execute0_lowered:
.L_overlay_start_1:
0x0: {  	(tag) =	ssettag $0x1  }
0x1: {  	s1 =	rddreg [dreg:$0x0]  }
0x2: {  	s0 =	rddreg [dreg:$0x1]  }
0x3: {  	s4 =	srdreg.scid;
	s5 =	stileid.u32  }
0x4: {  	s3 =	simm.s32 $0x0;
	s4 =	sand.u32 $0x1, s4;
	s5 =	sshll.u32 s5, $0x1  }
0x5: {  	[smem:$0x7FF] =	sst s3;
	s5 =	sor.u32 s4, s5  }
0x6: {  	s2 =	rddreg [dreg:$0x2];
	_ =	strace $0x80000047;
	s6 =	sshll.u32 s5, $0x7  }
0x7: {  	s25 =	sshll.u32 s5, $0xF;
	s6 =	sadd.s32 s6, s0;
	s0 =	sadd.s32 $0x1400, s0  }
0x8: {  	s4 =	ssub.s32 $0x2, s4;
	s2 =	sadd.s32 s2, s25;
	[dreg:$0x4] =	wrdreg s0  }
0x9: {  	s23 =	sshrl.u32 s4, $0x1;
	s24 =	sadd.s32 $0x400, s6;
	[dreg:$0x6] =	wrdreg s2  }
0xa: {  	s0 =	ssub.s32 s4, s23;
	s4 =	sadd.s32 $0x1000, s2;
	[dreg:$0x5] =	wrdreg s24  }
0xb: {  	s26 =	sadd.s32 $0x2000, s2;
	[dreg:$0x7] =	wrdreg s4  }
0xc: {  	s28 =	sadd.s32 $0x3000, s2;
	[dreg:$0x8] =	wrdreg s26  }
0xd: {  	s29 =	sadd.s32 $0x4000, s2;
	[dreg:$0x9] =	wrdreg s28  }
0xe: {  	s30 =	sadd.s32 $0x5000, s2;
	[dreg:$0xa] =	wrdreg s29  }
0xf: {  	s7 =	sadd.s32 $0x200, s1;
	s31 =	sadd.s32 $0x6000, s2;
	[dreg:$0xb] =	wrdreg s30  }
0x10: {  	v2 =	vlaneseq.u32;
	s9 =	sadd.s32 $0x300, s1;
	s2 =	sadd.s32 $0x7000, s2;
	[dreg:$0xc] =	wrdreg s31  }
0x11: {  	vm0 =	vmmov $0xffff;
	v1 =	vshrl.u32 v2, $0x3;
	s5 =	simm.s32 $0x8800;
	[dreg:$0xd] =	wrdreg s2;
	s0 =	smax.u32 s0, $0x1  }
0x12: {  	v0 =	vand.u32 $0x7, v2;
	v2 =	vor.u32 $0x8, v2;
	v1 =	vmul.u32 $0x8, v1;
	s6 =	sadd.s32 $0x100, s1;
	s4 =	simm.s32 $0x0;
	[dreg:$0xe] =	wrdreg s0  }
.LBB2_1:
0x13: {  	[dreg:$0xf] =	wrdreg s4  }
0x14: {  	s0 =	rddreg [dreg:$0x5];
	s2 =	simm.s32 $0x7  }
0x15: {  	[tilespmem:s3], [sflag:$0x7] =	stream.linear.gather [hbm4b:s0+s3], $0x400, $0x38;
	[tilespmem:$0x18800] =	vst v63  }
0x16: {  	_ =	swait.ge [sflag:s2], $0x400  }
0x17: {  	[sflag:s2] =	ssyncset.done $0x0  }
0x18: {  	s31 =	simm.s32 $0x400;
	s30 =	rddreg [dreg:$0x4];
	[sflag:s2] =	ssyncadd.s32 $0xFFFFFC00  }
0x19: {  	[tilespmem:s31], [sflag:$0x7] =	stream.linear.gather [hbm4b:s30+s3], $0x400, $0x38;
	[tilespmem:$0x18800] =	vst v63  }
0x1a: {  	_ =	swait.ge [sflag:s2], $0x400  }
0x1b: {  	[sflag:s2] =	ssyncset.done $0x0  }
0x1c: {  	[sflag:s2] =	ssyncadd.s32 $0xFFFFFC00  }
0x1d: {  	v3 =	vld [tilespmem:$0x0];
	_ =	sdelay $0x4  }
0x1e: {  	v4 =	vshll.u32 v3, $0x3  }
0x1f: {  	v3 =	vand.u32 $0x7, v3;
	v4 =	vand.u32 $0xFFFFFFC0, v4  }
0x20: {  	v3 =	vor.u32 v3, v4  }
0x21: {  	v4 =	vperm.xlane v3, v0;
	_ =	sdelay $0x1  }
0x22: {  	v4 =	vadd.s32 v1, v4;
	_ =	sdelay $0x3  }
0x23: {  	s4 =	simm.s32 $0x800  }
0x24: {  	[tilespmem:s4], [sflag:$0x1] =	stream.indirect_vreg.gather [hbm4b:s1+s3], $0x80, v4, vm0, $0xb8;
	[tilespmem:$0x18800] =	vst v63  }
0x25: {  	s8 =	simm.s32 $0x1000;
	v3 =	vperm.xlane v3, v2  }
0x26: {  	[tilespmem:s8], [sflag:$0x1] =	stream.indirect_vreg.gather [hbm4b:s6+s3], $0x80, v4, vm0, $0xb8;
	[tilespmem:$0x18800] =	vst v63  }
0x27: {  	s10 =	simm.s32 $0x1800;
	v3 =	vadd.s32 v1, v3  }
0x28: {  	[tilespmem:s10], [sflag:$0x1] =	stream.indirect_vreg.gather [hbm4b:s7+s3], $0x80, v4, vm0, $0xb8;
	[tilespmem:$0x18800] =	vst v63  }
0x29: {  	s11 =	simm.s32 $0x2000  }
0x2a: {  	[tilespmem:s11], [sflag:$0x1] =	stream.indirect_vreg.gather [hbm4b:s9+s3], $0x80, v4, vm0, $0xb8;
	[tilespmem:$0x18800] =	vst v63  }
0x2b: {  	s12 =	simm.s32 $0x2800  }
0x2c: {  	[tilespmem:s12], [sflag:$0x1] =	stream.indirect_vreg.gather [hbm4b:s1+s3], $0x80, v3, vm0, $0xb8;
	[tilespmem:$0x18800] =	vst v63  }
0x2d: {  	s13 =	simm.s32 $0x3000  }
0x2e: {  	[tilespmem:s13], [sflag:$0x1] =	stream.indirect_vreg.gather [hbm4b:s6+s3], $0x80, v3, vm0, $0xb8;
	[tilespmem:$0x18800] =	vst v63  }
0x2f: {  	s14 =	simm.s32 $0x3800  }
0x30: {  	[tilespmem:s14], [sflag:$0x1] =	stream.indirect_vreg.gather [hbm4b:s7+s3], $0x80, v3, vm0, $0xb8;
	[tilespmem:$0x18800] =	vst v63  }
0x31: {  	s15 =	simm.s32 $0x4000  }
0x32: {  	[tilespmem:s15], [sflag:$0x1] =	stream.indirect_vreg.gather [hbm4b:s9+s3], $0x80, v3, vm0, $0xb8;
	[tilespmem:$0x18800] =	vst v63  }
0x33: {  	v3 =	vld [tilespmem:$0x10];
	_ =	sdelay $0x4  }
0x34: {  	v59 =	vshll.u32 v3, $0x3  }
0x35: {  	v3 =	vand.u32 $0x7, v3;
	v4 =	vand.u32 $0xFFFFFFC0, v59  }
0x36: {  	v3 =	vor.u32 v3, v4  }
0x37: {  	v4 =	vperm.xlane v3, v0;
	_ =	sdelay $0x1  }
0x38: {  	v4 =	vadd.s32 v1, v4;
	_ =	sdelay $0x3  }
0x39: {  	s16 =	simm.s32 $0x4800  }
0x3a: {  	[tilespmem:s16], [sflag:$0x1] =	stream.indirect_vreg.gather [hbm4b:s1+s3], $0x80, v4, vm0, $0xb8;
	[tilespmem:$0x18800] =	vst v63  }
0x3b: {  	s17 =	simm.s32 $0x5000;
	v3 =	vperm.xlane v3, v2  }
0x3c: {  	[tilespmem:s17], [sflag:$0x1] =	stream.indirect_vreg.gather [hbm4b:s6+s3], $0x80, v4, vm0, $0xb8;
	[tilespmem:$0x18800] =	vst v63  }
0x3d: {  	s18 =	simm.s32 $0x5800;
	v3 =	vadd.s32 v1, v3  }
0x3e: {  	[tilespmem:s18], [sflag:$0x1] =	stream.indirect_vreg.gather [hbm4b:s7+s3], $0x80, v4, vm0, $0xb8;
	[tilespmem:$0x18800] =	vst v63  }
0x3f: {  	s19 =	simm.s32 $0x6000  }
0x40: {  	[tilespmem:s19], [sflag:$0x1] =	stream.indirect_vreg.gather [hbm4b:s9+s3], $0x80, v4, vm0, $0xb8;
	[tilespmem:$0x18800] =	vst v63  }
0x41: {  	s20 =	simm.s32 $0x6800  }
0x42: {  	[tilespmem:s20], [sflag:$0x1] =	stream.indirect_vreg.gather [hbm4b:s1+s3], $0x80, v3, vm0, $0xb8;
	[tilespmem:$0x18800] =	vst v63  }
0x43: {  	s21 =	simm.s32 $0x7000  }
0x44: {  	[tilespmem:s21], [sflag:$0x1] =	stream.indirect_vreg.gather [hbm4b:s6+s3], $0x80, v3, vm0, $0xb8;
	[tilespmem:$0x18800] =	vst v63  }
0x45: {  	s22 =	simm.s32 $0x7800  }
0x46: {  	[tilespmem:s22], [sflag:$0x1] =	stream.indirect_vreg.gather [hbm4b:s7+s3], $0x80, v3, vm0, $0xb8;
	[tilespmem:$0x18800] =	vst v63  }
0x47: {  	s23 =	simm.s32 $0x8000  }
0x48: {  	[tilespmem:s23], [sflag:$0x1] =	stream.indirect_vreg.gather [hbm4b:s9+s3], $0x80, v3, vm0, $0xb8;
	[tilespmem:$0x18800] =	vst v63  }
0x49: {  	v3 =	vld [tilespmem:$0x80];
	_ =	sdelay $0x4  }
0x4a: {  	v60 =	vshll.u32 v3, $0x3  }
0x4b: {  	v3 =	vand.u32 $0x7, v3;
	v4 =	vand.u32 $0xFFFFFFC0, v60  }
0x4c: {  	v3 =	vor.u32 v3, v4  }
0x4d: {  	v4 =	vperm.xlane v3, v0;
	_ =	sdelay $0x1  }
0x4e: {  	v4 =	vadd.s32 v1, v4;
	_ =	sdelay $0x4  }
0x4f: {  	[tilespmem:s5], [sflag:$0x2] =	stream.indirect_vreg.gather [hbm4b:s1+s3], $0x80, v4, vm0, $0xb8;
	[tilespmem:$0x18800] =	vst v63  }
0x50: {  	s24 =	simm.s32 $0x9000;
	v3 =	vperm.xlane v3, v2  }
0x51: {  	[tilespmem:s24], [sflag:$0x2] =	stream.indirect_vreg.gather [hbm4b:s6+s3], $0x80, v4, vm0, $0xb8;
	[tilespmem:$0x18800] =	vst v63  }
0x52: {  	s25 =	simm.s32 $0x9800;
	v3 =	vadd.s32 v1, v3  }
0x53: {  	[tilespmem:s25], [sflag:$0x2] =	stream.indirect_vreg.gather [hbm4b:s7+s3], $0x80, v4, vm0, $0xb8;
	[tilespmem:$0x18800] =	vst v63  }
0x54: {  	s26 =	simm.s32 $0xA000  }
0x55: {  	[tilespmem:s26], [sflag:$0x2] =	stream.indirect_vreg.gather [hbm4b:s9+s3], $0x80, v4, vm0, $0xb8;
	[tilespmem:$0x18800] =	vst v63  }
0x56: {  	s28 =	simm.s32 $0xA800  }
0x57: {  	[tilespmem:s28], [sflag:$0x2] =	stream.indirect_vreg.gather [hbm4b:s1+s3], $0x80, v3, vm0, $0xb8;
	[tilespmem:$0x18800] =	vst v63  }
0x58: {  	s29 =	simm.s32 $0xB000  }
0x59: {  	[tilespmem:s29], [sflag:$0x2] =	stream.indirect_vreg.gather [hbm4b:s6+s3], $0x80, v3, vm0, $0xb8;
	[tilespmem:$0x18800] =	vst v63  }
0x5a: {  	s30 =	simm.s32 $0xB800  }
0x5b: {  	[tilespmem:s30], [sflag:$0x2] =	stream.indirect_vreg.gather [hbm4b:s7+s3], $0x80, v3, vm0, $0xb8;
	[tilespmem:$0x18800] =	vst v63  }
0x5c: {  	s31 =	simm.s32 $0xC000  }
0x5d: {  	[tilespmem:s31], [sflag:$0x2] =	stream.indirect_vreg.gather [hbm4b:s9+s3], $0x80, v3, vm0, $0xb8;
	[tilespmem:$0x18800] =	vst v63  }
0x5e: {  	v3 =	vld [tilespmem:$0x90];
	_ =	sdelay $0x4  }
0x5f: {  	v61 =	vshll.u32 v3, $0x3  }
0x60: {  	v3 =	vand.u32 $0x7, v3;
	v4 =	vand.u32 $0xFFFFFFC0, v61  }
0x61: {  	v3 =	vor.u32 v3, v4  }
0x62: {  	v4 =	vperm.xlane v3, v0;
	_ =	sdelay $0x1  }
0x63: {  	v4 =	vadd.s32 v1, v4;
	_ =	sdelay $0x3  }
0x64: {  	s2 =	simm.s32 $0xC800  }
0x65: {  	[tilespmem:s2], [sflag:$0x2] =	stream.indirect_vreg.gather [hbm4b:s1+s3], $0x80, v4, vm0, $0xb8;
	[tilespmem:$0x18800] =	vst v63  }
0x66: {  	s4 =	simm.s32 $0xD000;
	v3 =	vperm.xlane v3, v2  }
0x67: {  	[tilespmem:s4], [sflag:$0x2] =	stream.indirect_vreg.gather [hbm4b:s6+s3], $0x80, v4, vm0, $0xb8;
	[tilespmem:$0x18800] =	vst v63  }
0x68: {  	s5 =	simm.s32 $0xD800;
	v3 =	vadd.s32 v1, v3  }
0x69: {  	[tilespmem:s5], [sflag:$0x2] =	stream.indirect_vreg.gather [hbm4b:s7+s3], $0x80, v4, vm0, $0xb8;
	[tilespmem:$0x18800] =	vst v63  }
0x6a: {  	s8 =	simm.s32 $0xE000  }
0x6b: {  	[tilespmem:s8], [sflag:$0x2] =	stream.indirect_vreg.gather [hbm4b:s9+s3], $0x80, v4, vm0, $0xb8;
	[tilespmem:$0x18800] =	vst v63  }
0x6c: {  	s10 =	simm.s32 $0xE800  }
0x6d: {  	[tilespmem:s10], [sflag:$0x2] =	stream.indirect_vreg.gather [hbm4b:s1+s3], $0x80, v3, vm0, $0xb8;
	[tilespmem:$0x18800] =	vst v63  }
0x6e: {  	s11 =	simm.s32 $0xF000  }
0x6f: {  	[tilespmem:s11], [sflag:$0x2] =	stream.indirect_vreg.gather [hbm4b:s6+s3], $0x80, v3, vm0, $0xb8;
	[tilespmem:$0x18800] =	vst v63  }
0x70: {  	s12 =	simm.s32 $0xF800  }
0x71: {  	[tilespmem:s12], [sflag:$0x2] =	stream.indirect_vreg.gather [hbm4b:s7+s3], $0x80, v3, vm0, $0xb8;
	[tilespmem:$0x18800] =	vst v63  }
0x72: {  	s13 =	simm.s32 $0x10000  }
0x73: {  	[tilespmem:s13], [sflag:$0x2] =	stream.indirect_vreg.gather [hbm4b:s9+s3], $0x80, v3, vm0, $0xb8;
	[tilespmem:$0x18800] =	vst v63  }
0x74: {  	v3 =	vld [tilespmem:$0x100];
	_ =	sdelay $0x4  }
0x75: {  	v62 =	vshll.u32 v3, $0x3  }
0x76: {  	v3 =	vand.u32 $0x7, v3;
	v4 =	vand.u32 $0xFFFFFFC0, v62  }
0x77: {  	v3 =	vor.u32 v3, v4  }
0x78: {  	v4 =	vperm.xlane v3, v0;
	_ =	sdelay $0x1  }
0x79: {  	v4 =	vadd.s32 v1, v4;
	_ =	sdelay $0x3  }
0x7a: {  	s14 =	simm.s32 $0x10800  }
0x7b: {  	[tilespmem:s14], [sflag:$0x3] =	stream.indirect_vreg.gather [hbm4b:s1+s3], $0x80, v4, vm0, $0xb8;
	[tilespmem:$0x18800] =	vst v63  }
0x7c: {  	s15 =	simm.s32 $0x11000;
	v3 =	vperm.xlane v3, v2  }
0x7d: {  	[tilespmem:s15], [sflag:$0x3] =	stream.indirect_vreg.gather [hbm4b:s6+s3], $0x80, v4, vm0, $0xb8;
	[tilespmem:$0x18800] =	vst v63  }
0x7e: {  	s16 =	simm.s32 $0x11800;
	v3 =	vadd.s32 v1, v3  }
0x7f: {  	[tilespmem:s16], [sflag:$0x3] =	stream.indirect_vreg.gather [hbm4b:s7+s3], $0x80, v4, vm0, $0xb8;
	[tilespmem:$0x18800] =	vst v63  }
0x80: {  	s17 =	simm.s32 $0x12000  }
0x81: {  	[tilespmem:s17], [sflag:$0x3] =	stream.indirect_vreg.gather [hbm4b:s9+s3], $0x80, v4, vm0, $0xb8;
	[tilespmem:$0x18800] =	vst v63  }
0x82: {  	s18 =	simm.s32 $0x12800  }
0x83: {  	[tilespmem:s18], [sflag:$0x3] =	stream.indirect_vreg.gather [hbm4b:s1+s3], $0x80, v3, vm0, $0xb8;
	[tilespmem:$0x18800] =	vst v63  }
0x84: {  	s19 =	simm.s32 $0x13000  }
0x85: {  	[tilespmem:s19], [sflag:$0x3] =	stream.indirect_vreg.gather [hbm4b:s6+s3], $0x80, v3, vm0, $0xb8;
	[tilespmem:$0x18800] =	vst v63  }
0x86: {  	s20 =	simm.s32 $0x13800  }
0x87: {  	[tilespmem:s20], [sflag:$0x3] =	stream.indirect_vreg.gather [hbm4b:s7+s3], $0x80, v3, vm0, $0xb8;
	[tilespmem:$0x18800] =	vst v63  }
0x88: {  	s21 =	simm.s32 $0x14000  }
0x89: {  	[tilespmem:s21], [sflag:$0x3] =	stream.indirect_vreg.gather [hbm4b:s9+s3], $0x80, v3, vm0, $0xb8;
	[tilespmem:$0x18800] =	vst v63  }
0x8a: {  	v3 =	vld [tilespmem:$0x110];
	_ =	sdelay $0x4  }
0x8b: {  	v63 =	vshll.u32 v3, $0x3  }
0x8c: {  	v3 =	vand.u32 $0x7, v3;
	v4 =	vand.u32 $0xFFFFFFC0, v63  }
0x8d: {  	v3 =	vor.u32 v3, v4  }
0x8e: {  	v4 =	vperm.xlane v3, v0;
	_ =	sdelay $0x1  }
0x8f: {  	v4 =	vadd.s32 v1, v4;
	_ =	sdelay $0x3  }
0x90: {  	s22 =	simm.s32 $0x14800  }
0x91: {  	[tilespmem:s22], [sflag:$0x3] =	stream.indirect_vreg.gather [hbm4b:s1+s3], $0x80, v4, vm0, $0xb8;
	[tilespmem:$0x18800] =	vst v63  }
0x92: {  	s23 =	simm.s32 $0x15000;
	v3 =	vperm.xlane v3, v2  }
0x93: {  	[tilespmem:s23], [sflag:$0x3] =	stream.indirect_vreg.gather [hbm4b:s6+s3], $0x80, v4, vm0, $0xb8;
	[tilespmem:$0x18800] =	vst v63  }
0x94: {  	s24 =	simm.s32 $0x15800;
	v3 =	vadd.s32 v1, v3  }
0x95: {  	[tilespmem:s24], [sflag:$0x3] =	stream.indirect_vreg.gather [hbm4b:s7+s3], $0x80, v4, vm0, $0xb8;
	[tilespmem:$0x18800] =	vst v63  }
0x96: {  	s25 =	simm.s32 $0x16000  }
0x97: {  	[tilespmem:s25], [sflag:$0x3] =	stream.indirect_vreg.gather [hbm4b:s9+s3], $0x80, v4, vm0, $0xb8;
	[tilespmem:$0x18800] =	vst v63  }
0x98: {  	s26 =	simm.s32 $0x16800  }
0x99: {  	[tilespmem:s26], [sflag:$0x3] =	stream.indirect_vreg.gather [hbm4b:s1+s3], $0x80, v3, vm0, $0xb8;
	[tilespmem:$0x18800] =	vst v63  }
0x9a: {  	s28 =	simm.s32 $0x17000  }
0x9b: {  	[tilespmem:s28], [sflag:$0x3] =	stream.indirect_vreg.gather [hbm4b:s6+s3], $0x80, v3, vm0, $0xb8;
	[tilespmem:$0x18800] =	vst v63  }
0x9c: {  	s29 =	simm.s32 $0x17800  }
0x9d: {  	[tilespmem:s29], [sflag:$0x3] =	stream.indirect_vreg.gather [hbm4b:s7+s3], $0x80, v3, vm0, $0xb8;
	[tilespmem:$0x18800] =	vst v63  }
0x9e: {  	s30 =	simm.s32 $0x18000;
	s31 =	simm.s32 $0x1  }
0x9f: {  	[tilespmem:s30], [sflag:$0x3] =	stream.indirect_vreg.gather [hbm4b:s9+s3], $0x80, v3, vm0, $0xb8;
	[tilespmem:$0x18800] =	vst v63  }
0xa0: {  	_ =	swait.ge [sflag:s31], $0x8000  }
0xa1: {  	[sflag:s31] =	ssyncset.done $0x0  }
0xa2: {  	s11 =	simm.s32 $0x0;
	[sflag:s31] =	ssyncadd.s32 $0xFFFF8000  }
.LBB2_2:
0xa3: {  	s2 =	sshll.u32 s11, $0x4;
	s8 =	sshll.u32 s11, $0x5  }
0xa4: {  	s10 =	sshll.u32 s11, $0x9;
	s12 =	sshll.u32 s11, $0x7;
	s2 =	sand.u32 $0x70, s2  }
0xa5: {  	s15 =	simm.s32 $0x0;
	s8 =	sand.u32 $0x3FFFFF00, s8;
	s0 =	sand.u32 $0xFFFFF000, s10;
	v3 =	vmov s2  }
0xa6: {  	s13 =	sand.u32 $0xC00, s12;
	s4 =	sand.u32 $0x6000, s15;
	s5 =	sand.u32 $0x200, s15  }
0xa7: {  	s8 =	sor.u32 s2, s8;
	s14 =	sshra.s32 s0, $0x2;
	s10 =	sor.u32 $0x800, s4  }
0xa8: {  	s18 =	sor.u32 $0x180, s5;
	v4 =	vld [tilespmem:s8+$0x400];
	s16 =	sadd.s32 s14, s10;
	s10 =	sadd.s32 s13, s10  }
0xa9: {  	v5 =	vld [tilespmem:s8+$0x480];
	s19 =	sadd.s32 $0x1000, s10;
	s17 =	sadd.s32 s18, s16  }
0xaa: {  	s18 =	sadd.s32 s18, s19;
	v6 =	vld.idx.msk [tilespmem:v3+s17+$0x0 ss:$0x1], $0xffff  }
0xab: {  	s20 =	sor.u32 $0x100, s5;
	s10 =	sadd.s32 s5, s19;
	v7 =	vld.idx.msk [tilespmem:v3+s18+$0x0 ss:$0x1], $0xffff  }
0xac: {  	s12 =	sadd.s32 s20, s19;
	v8 =	vld.idx.msk [tilespmem:v3+s10+$0x0 ss:$0x1], $0xffff  }
0xad: {  	s21 =	simm.s32 $0x1000;
	s15 =	sor.u32 $0x80, s5;
	s2 =	sadd.s32 s5, s16;
	v10 =	vld.idx.msk [tilespmem:v3+s12+$0x0 ss:$0x1], $0xffff  }
0xae: {  	s22 =	simm.s32 $0x200;
	s8 =	sand.u32 $0x6000, s21;
	s26 =	sadd.s32 s15, s19;
	v11 =	vld.idx.msk [tilespmem:v3+s2+$0x0 ss:$0x1], $0xffff  }
0xaf: {  	s22 =	sand.u32 $0x200, s22;
	s8 =	sor.u32 $0x800, s8;
	v9 =	vld.idx.msk [tilespmem:v3+s26+$0x0 ss:$0x1], $0xffff;
	v12 =	vmul.f32 v6, v4  }
0xb0: {  	s15 =	sadd.s32 s15, s16;
	s31 =	sadd.s32 s14, s8;
	s8 =	sadd.s32 s13, s8;
	v13 =	vmul.f32 v7, v5;
	v6 =	vmul.f32 v6, v5  }
0xb1: {  	s29 =	sor.u32 $0x80, s22;
	s21 =	sadd.s32 s20, s16;
	s23 =	sadd.s32 $0x1000, s8;
	v14 =	vld.idx.msk [tilespmem:v3+s15+$0x0 ss:$0x1], $0xffff;
	v7 =	vmul.f32 v7, v4;
	v16 =	vmul.f32 v8, v5  }
0xb2: {  	s30 =	sor.u32 $0x180, s22;
	v15 =	vld.idx.msk [tilespmem:v3+s21+$0x0 ss:$0x1], $0xffff;
	s8 =	sadd.s32 s29, s23;
	v17 =	vmul.f32 v8, v4;
	v19 =	vmul.f32 v10, v5  }
0xb3: {  	s25 =	sadd.s32 s30, s31;
	v20 =	vmul.f32 v10, v4;
	v10 =	vld.idx.msk [tilespmem:v3+s8+$0x0 ss:$0x1], $0xffff;
	v8 =	vsub.f32 v12, v13;
	v13 =	vmul.f32 v11, v4  }
0xb4: {  	s24 =	sadd.s32 s30, s23;
	v18 =	vmul.f32 v9, v4;
	v21 =	vmul.f32 v11, v5;
	v7 =	vadd.f32 v7, v6;
	v6 =	vld.idx.msk [tilespmem:v3+s25+$0x0 ss:$0x1], $0xffff  }
0xb5: {  	s4 =	sor.u32 $0x100, s22;
	s16 =	sadd.s32 s22, s23;
	v12 =	vmul.f32 v9, v5;
	[tilespmem:v3+s17+$0x0 ss:$0x1] =	vst.idx.msk $0xffff, v8;
	v8 =	vld.idx.msk [tilespmem:v3+s24+$0x0 ss:$0x1], $0xffff;
	v16 =	vsub.f32 v13, v16  }
0xb6: {  	v9 =	vld.idx.msk [tilespmem:v3+s16+$0x0 ss:$0x1], $0xffff;
	s17 =	sadd.s32 s4, s23;
	[tilespmem:v3+s18+$0x0 ss:$0x1] =	vst.idx.msk $0xffff, v7;
	v7 =	vmul.f32 v14, v4;
	v14 =	vmul.f32 v14, v5  }
0xb7: {  	v22 =	vmul.f32 v15, v4;
	v23 =	vmul.f32 v15, v5;
	v17 =	vadd.f32 v17, v21;
	s23 =	sadd.s32 s22, s31;
	v11 =	vld.idx.msk [tilespmem:v3+s17+$0x0 ss:$0x1], $0xffff  }
0xb8: {  	s28 =	simm.s32 $0x4;
	s29 =	sadd.s32 s29, s31;
	v13 =	vld.idx.msk [tilespmem:v3+s23+$0x0 ss:$0x1], $0xffff;
	[tilespmem:v3+s2+$0x0 ss:$0x1] =	vst.idx.msk $0xffff, v16;
	v15 =	vsub.f32 v7, v12;
	v16 =	vadd.f32 v18, v14  }
0xb9: {  	s20 =	simm.s32 $0x2000;
	s22 =	sadd.s32 s4, s31;
	s18 =	simm.s32 $0x400;
	v12 =	vsub.f32 v22, v19;
	v14 =	vld.idx.msk [tilespmem:v3+s29+$0x0 ss:$0x1], $0xffff;
	[tilespmem:v3+s10+$0x0 ss:$0x1] =	vst.idx.msk $0xffff, v17;
	v7 =	vadd.f32 v20, v23  }
.LBB2_3:
0xba: {  	s2 =	sand.u32 $0x6000, s20;
	s4 =	sand.u32 $0x200, s18;
	v17 =	vld.idx.msk [tilespmem:v3+s22+$0x0 ss:$0x1], $0xffff;
	v18 =	vmul.f32 v6, v4;
	v19 =	vmul.f32 v8, v5;
	[tilespmem:v3+s15+$0x0 ss:$0x1] =	vst.idx.msk $0xffff, v15;
	s15 =	smov.u32 s29  }
0xbb: {  	s28 =	sadd.s32 $0x4, s28;
	v6 =	vmul.f32 v6, v5;
	v8 =	vmul.f32 v8, v4;
	s2 =	sor.u32 $0x800, s2;
	s10 =	sor.u32 $0x180, s4;
	[tilespmem:v3+s26+$0x0 ss:$0x1] =	vst.idx.msk $0xffff, v16  }
0xbc: {  	v15 =	vmul.f32 v9, v5;
	p0 =	slt.u32 s28, $0x1C;
	v16 =	vmul.f32 v9, v4;
	s26 =	sadd.s32 s14, s2;
	s2 =	sadd.s32 s13, s2;
	v9 =	vsub.f32 v18, v19  }
0xbd: {  	s29 =	sor.u32 $0x80, s4;
	v18 =	vmul.f32 v10, v5;
	v19 =	vmul.f32 v10, v4;
	v10 =	vadd.f32 v8, v6;
	s2 =	sadd.s32 $0x1000, s2;
	s30 =	sadd.s32 s10, s26  }
0xbe: {  	s0 =	sor.u32 $0x100, s4;
	v20 =	vmul.f32 v11, v5;
	v21 =	vmul.f32 v11, v4;
	s31 =	sadd.s32 s4, s2;
	v6 =	vld.idx.msk [tilespmem:v3+s30+$0x0 ss:$0x1], $0xffff;
	s10 =	sadd.s32 s10, s2;
	[tilespmem:v3+s25+$0x0 ss:$0x1] =	vst.idx.msk $0xffff, v9  }
0xbf: {  	v11 =	vmul.f32 v13, v4;
	v13 =	vmul.f32 v13, v5;
	s4 =	sadd.s32 s4, s26;
	s19 =	sadd.s32 s29, s2;
	s2 =	sadd.s32 s0, s2;
	v8 =	vld.idx.msk [tilespmem:v3+s10+$0x0 ss:$0x1], $0xffff;
	[tilespmem:v3+s24+$0x0 ss:$0x1] =	vst.idx.msk $0xffff, v10  }
.Ltmp0:
0xc0: {  	s29 =	sadd.s32 s29, s26;
	s0 =	sadd.s32 s0, s26;
	v22 =	vmul.f32 v14, v4;
	v14 =	vmul.f32 v14, v5;
	v9 =	vld.idx.msk [tilespmem:v3+s31+$0x0 ss:$0x1], $0xffff;
	[tilespmem:v3+s21+$0x0 ss:$0x1] =	vst.idx.msk $0xffff, v12;
	(pc) =	sbr.rel @p0 .LBB2_3-.Ltmp0, $4  }
0xc1: {  	s25 =	smov.u32 s30;
	s26 =	smov.u32 s8;
	v23 =	vmul.f32 v17, v4;
	v17 =	vmul.f32 v17, v5;
	s24 =	smov.u32 s10;
	v12 =	vsub.f32 v11, v15;
	v10 =	vld.idx.msk [tilespmem:v3+s19+$0x0 ss:$0x1], $0xffff  }
0xc2: {  	v24 =	vadd.f32 v16, v13;
	s8 =	smov.u32 s19;
	v15 =	vsub.f32 v22, v18;
	v11 =	vld.idx.msk [tilespmem:v3+s2+$0x0 ss:$0x1], $0xffff;
	[tilespmem:v3+s12+$0x0 ss:$0x1] =	vst.idx.msk $0xffff, v7;
	s12 =	smov.u32 s17;
	s17 =	smov.u32 s2  }
0xc3: {  	v16 =	vadd.f32 v19, v14;
	s21 =	smov.u32 s22;
	s22 =	smov.u32 s0;
	v13 =	vld.idx.msk [tilespmem:v3+s4+$0x0 ss:$0x1], $0xffff;
	[tilespmem:v3+s23+$0x0 ss:$0x1] =	vst.idx.msk $0xffff, v12;
	v12 =	vsub.f32 v23, v20;
	s23 =	smov.u32 s4  }
0xc4: {  	s18 =	sadd.s32 $0x200, s18;
	s20 =	sadd.s32 $0x1000, s20;
	v7 =	vadd.f32 v21, v17;
	v14 =	vld.idx.msk [tilespmem:v3+s29+$0x0 ss:$0x1], $0xffff;
	[tilespmem:v3+s16+$0x0 ss:$0x1] =	vst.idx.msk $0xffff, v24;
	s16 =	smov.u32 s31  }
0xc5: {  	_ =	sdelay $0x3  }
0xc6: {  	v17 =	vmul.f32 v6, v4;
	v18 =	vmul.f32 v8, v5;
	[tilespmem:v3+s15+$0x0 ss:$0x1] =	vst.idx.msk $0xffff, v15  }
0xc7: {  	v46 =	vmul.f32 v6, v5;
	v47 =	vmul.f32 v8, v4;
	[tilespmem:v3+s21+$0x0 ss:$0x1] =	vst.idx.msk $0xffff, v12  }
0xc8: {  	v48 =	vmul.f32 v9, v5;
	v49 =	vmul.f32 v9, v4;
	[tilespmem:v3+s26+$0x0 ss:$0x1] =	vst.idx.msk $0xffff, v16  }
0xc9: {  	v51 =	vld.idx.msk [tilespmem:v3+s22+$0x0 ss:$0x1], $0xffff;
	v52 =	vmul.f32 v10, v5;
	v53 =	vmul.f32 v10, v4;
	[tilespmem:v3+s12+$0x0 ss:$0x1] =	vst.idx.msk $0xffff, v7  }
0xca: {  	v50 =	vsub.f32 v17, v18;
	v54 =	vmul.f32 v11, v5;
	v55 =	vmul.f32 v13, v4  }
0xcb: {  	v6 =	vadd.f32 v47, v46;
	v56 =	vmul.f32 v11, v4;
	v57 =	vmul.f32 v13, v5  }
0xcc: {  	[tilespmem:v3+s25+$0x0 ss:$0x1] =	vst.idx.msk $0xffff, v50;
	v58 =	vmul.f32 v14, v4;
	v59 =	vsub.f32 v55, v48  }
0xcd: {  	s11 =	sadd.s32 $0x1, s11;
	v60 =	vmul.f32 v14, v5;
	[tilespmem:v3+s24+$0x0 ss:$0x1] =	vst.idx.msk $0xffff, v6;
	v9 =	vadd.f32 v49, v57  }
0xce: {  	p0 =	sne.s32 s11, $0x20;
	v61 =	vmul.f32 v51, v4;
	v6 =	vsub.f32 v58, v52;
	[tilespmem:v3+s23+$0x0 ss:$0x1] =	vst.idx.msk $0xffff, v59  }
.Ltmp1:
0xcf: {  	v62 =	vmul.f32 v51, v5;
	v63 =	vadd.f32 v53, v60;
	[tilespmem:v3+s16+$0x0 ss:$0x1] =	vst.idx.msk $0xffff, v9;
	(pc) =	sbr.rel @p0 .LBB2_2-.Ltmp1, $4  }
0xd0: {  	v4 =	vsub.f32 v61, v54;
	[tilespmem:v3+s29+$0x0 ss:$0x1] =	vst.idx.msk $0xffff, v6  }
0xd1: {  	v5 =	vadd.f32 v56, v62;
	[tilespmem:v3+s8+$0x0 ss:$0x1] =	vst.idx.msk $0xffff, v63  }
0xd2: {  	[tilespmem:v3+s22+$0x0 ss:$0x1] =	vst.idx.msk $0xffff, v4  }
0xd3: {  	[tilespmem:v3+s17+$0x0 ss:$0x1] =	vst.idx.msk $0xffff, v5  }
0xd4: {  	s11 =	simm.s32 $0x0  }
0xd5: {  	s0 =	rddreg [dreg:$0x6];
	s2 =	simm.s32 $0x800;
	s31 =	simm.s32 $0x2  }
0xd6: {  	[hbm4b:s0+s11] =	stream.linear.scatter [tilespmem:s2], [sflag:$0x4], $0x8000, $0x38;
	[tilespmem:$0x18800] =	vst v63  }
0xd7: {  	_ =	swait.ge [sflag:s31], $0x8000  }
0xd8: {  	[sflag:s31] =	ssyncset.done $0x0  }
0xd9: {  	s12 =	simm.s32 $0x0;
	[sflag:s31] =	ssyncadd.s32 $0xFFFF8000  }
.LBB2_6:
0xda: {  	s0 =	sshll.u32 s12, $0x4  }
0xdb: {  	s2 =	sshll.u32 s12, $0x5;
	s4 =	sshll.u32 s12, $0x9;
	s0 =	sand.u32 $0x70, s0  }
0xdc: {  	s8 =	sshll.u32 s12, $0x7;
	s26 =	sand.u32 $0x6000, s11;
	s30 =	sand.u32 $0x200, s11;
	v3 =	vmov s0  }
0xdd: {  	s2 =	sand.u32 $0x3FFFFF00, s2;
	s25 =	sand.u32 $0xFFFFF000, s4;
	s14 =	sand.u32 $0xC00, s8  }
0xde: {  	s4 =	sor.u32 $0x8800, s26;
	s2 =	sor.u32 s0, s2;
	s15 =	sshra.s32 s25, $0x2  }
0xdf: {  	s31 =	sor.u32 $0x180, s30;
	v4 =	vld [tilespmem:s2+$0x400];
	s10 =	sadd.s32 s15, s4;
	s4 =	sadd.s32 s14, s4  }
0xe0: {  	v5 =	vld [tilespmem:s2+$0x480];
	s4 =	sadd.s32 $0x1000, s4;
	s18 =	sadd.s32 s31, s10  }
0xe1: {  	s8 =	sadd.s32 s31, s4;
	v6 =	vld.idx.msk [tilespmem:v3+s18+$0x0 ss:$0x1], $0xffff  }
0xe2: {  	s17 =	sor.u32 $0x100, s30;
	s5 =	sadd.s32 s30, s4;
	v7 =	vld.idx.msk [tilespmem:v3+s8+$0x0 ss:$0x1], $0xffff  }
0xe3: {  	s13 =	sadd.s32 s17, s4;
	v8 =	vld.idx.msk [tilespmem:v3+s5+$0x0 ss:$0x1], $0xffff  }
0xe4: {  	s23 =	simm.s32 $0x1000;
	s16 =	sor.u32 $0x80, s30;
	s0 =	sadd.s32 s30, s10;
	v10 =	vld.idx.msk [tilespmem:v3+s13+$0x0 ss:$0x1], $0xffff  }
0xe5: {  	s19 =	simm.s32 $0x200;
	s28 =	sadd.s32 s16, s4;
	s4 =	sand.u32 $0x6000, s23;
	v11 =	vld.idx.msk [tilespmem:v3+s0+$0x0 ss:$0x1], $0xffff  }
0xe6: {  	s24 =	sand.u32 $0x200, s19;
	s4 =	sor.u32 $0x8800, s4;
	v9 =	vld.idx.msk [tilespmem:v3+s28+$0x0 ss:$0x1], $0xffff;
	v12 =	vmul.f32 v6, v4  }
0xe7: {  	s16 =	sadd.s32 s16, s10;
	s31 =	sadd.s32 s15, s4;
	s4 =	sadd.s32 s14, s4;
	v13 =	vmul.f32 v7, v5;
	v6 =	vmul.f32 v6, v5  }
0xe8: {  	s20 =	sor.u32 $0x80, s24;
	s22 =	sadd.s32 s17, s10;
	v14 =	vld.idx.msk [tilespmem:v3+s16+$0x0 ss:$0x1], $0xffff;
	s4 =	sadd.s32 $0x1000, s4;
	v7 =	vmul.f32 v7, v4;
	v16 =	vmul.f32 v8, v5  }
0xe9: {  	s30 =	sor.u32 $0x180, s24;
	v15 =	vld.idx.msk [tilespmem:v3+s22+$0x0 ss:$0x1], $0xffff;
	s21 =	sadd.s32 s20, s4;
	v17 =	vmul.f32 v8, v4;
	v19 =	vmul.f32 v10, v5  }
0xea: {  	s26 =	sadd.s32 s30, s31;
	v20 =	vmul.f32 v10, v4;
	v10 =	vld.idx.msk [tilespmem:v3+s21+$0x0 ss:$0x1], $0xffff;
	v8 =	vsub.f32 v12, v13;
	v13 =	vmul.f32 v11, v4  }
0xeb: {  	s25 =	sadd.s32 s30, s4;
	v18 =	vmul.f32 v9, v4;
	v21 =	vmul.f32 v11, v5;
	v7 =	vadd.f32 v7, v6;
	v6 =	vld.idx.msk [tilespmem:v3+s26+$0x0 ss:$0x1], $0xffff  }
0xec: {  	s17 =	sadd.s32 s24, s4;
	v12 =	vmul.f32 v9, v5;
	[tilespmem:v3+s18+$0x0 ss:$0x1] =	vst.idx.msk $0xffff, v8;
	v8 =	vld.idx.msk [tilespmem:v3+s25+$0x0 ss:$0x1], $0xffff;
	v16 =	vsub.f32 v13, v16  }
0xed: {  	s23 =	sor.u32 $0x100, s24;
	s24 =	sadd.s32 s24, s31;
	v9 =	vld.idx.msk [tilespmem:v3+s17+$0x0 ss:$0x1], $0xffff;
	[tilespmem:v3+s8+$0x0 ss:$0x1] =	vst.idx.msk $0xffff, v7;
	v7 =	vmul.f32 v14, v4;
	v14 =	vmul.f32 v14, v5  }
0xee: {  	v22 =	vmul.f32 v15, v4;
	v23 =	vmul.f32 v15, v5;
	v17 =	vadd.f32 v17, v21;
	v13 =	vld.idx.msk [tilespmem:v3+s24+$0x0 ss:$0x1], $0xffff;
	s8 =	sadd.s32 s23, s4  }
0xef: {  	s29 =	simm.s32 $0x4;
	s18 =	sadd.s32 s20, s31;
	v11 =	vld.idx.msk [tilespmem:v3+s8+$0x0 ss:$0x1], $0xffff;
	[tilespmem:v3+s0+$0x0 ss:$0x1] =	vst.idx.msk $0xffff, v16;
	v15 =	vsub.f32 v7, v12;
	v16 =	vadd.f32 v18, v14  }
0xf0: {  	s10 =	simm.s32 $0x2000;
	s20 =	simm.s32 $0x400;
	s23 =	sadd.s32 s23, s31;
	v12 =	vsub.f32 v22, v19;
	v14 =	vld.idx.msk [tilespmem:v3+s18+$0x0 ss:$0x1], $0xffff;
	[tilespmem:v3+s5+$0x0 ss:$0x1] =	vst.idx.msk $0xffff, v17;
	v7 =	vadd.f32 v20, v23  }
.LBB2_7:
0xf1: {  	s0 =	sand.u32 $0x6000, s10;
	s2 =	sand.u32 $0x200, s20;
	v17 =	vld.idx.msk [tilespmem:v3+s23+$0x0 ss:$0x1], $0xffff;
	v18 =	vmul.f32 v6, v4;
	v19 =	vmul.f32 v8, v5;
	[tilespmem:v3+s16+$0x0 ss:$0x1] =	vst.idx.msk $0xffff, v15;
	s16 =	smov.u32 s18  }
0xf2: {  	s29 =	sadd.s32 $0x4, s29;
	v6 =	vmul.f32 v6, v5;
	v8 =	vmul.f32 v8, v4;
	s0 =	sor.u32 $0x8800, s0;
	s4 =	sor.u32 $0x180, s2;
	[tilespmem:v3+s28+$0x0 ss:$0x1] =	vst.idx.msk $0xffff, v16  }
0xf3: {  	v15 =	vmul.f32 v9, v5;
	p0 =	slt.u32 s29, $0x1C;
	v16 =	vmul.f32 v9, v4;
	s19 =	sadd.s32 s15, s0;
	s0 =	sadd.s32 s14, s0;
	v9 =	vsub.f32 v18, v19  }
0xf4: {  	s18 =	sor.u32 $0x80, s2;
	v18 =	vmul.f32 v10, v5;
	v19 =	vmul.f32 v10, v4;
	v10 =	vadd.f32 v8, v6;
	s0 =	sadd.s32 $0x1000, s0;
	s28 =	sadd.s32 s4, s19  }
0xf5: {  	s31 =	sor.u32 $0x100, s2;
	v20 =	vmul.f32 v11, v5;
	v21 =	vmul.f32 v11, v4;
	s30 =	sadd.s32 s2, s0;
	v6 =	vld.idx.msk [tilespmem:v3+s28+$0x0 ss:$0x1], $0xffff;
	s4 =	sadd.s32 s4, s0;
	[tilespmem:v3+s26+$0x0 ss:$0x1] =	vst.idx.msk $0xffff, v9  }
0xf6: {  	v11 =	vmul.f32 v13, v4;
	v13 =	vmul.f32 v13, v5;
	s2 =	sadd.s32 s2, s19;
	s5 =	sadd.s32 s18, s0;
	s0 =	sadd.s32 s31, s0;
	v8 =	vld.idx.msk [tilespmem:v3+s4+$0x0 ss:$0x1], $0xffff;
	[tilespmem:v3+s25+$0x0 ss:$0x1] =	vst.idx.msk $0xffff, v10  }
.Ltmp2:
0xf7: {  	s18 =	sadd.s32 s18, s19;
	s19 =	sadd.s32 s31, s19;
	v22 =	vmul.f32 v14, v4;
	v14 =	vmul.f32 v14, v5;
	v9 =	vld.idx.msk [tilespmem:v3+s30+$0x0 ss:$0x1], $0xffff;
	[tilespmem:v3+s22+$0x0 ss:$0x1] =	vst.idx.msk $0xffff, v12;
	(pc) =	sbr.rel @p0 .LBB2_7-.Ltmp2, $4  }
0xf8: {  	s26 =	smov.u32 s28;
	s28 =	smov.u32 s21;
	v23 =	vmul.f32 v17, v4;
	v17 =	vmul.f32 v17, v5;
	s25 =	smov.u32 s4;
	v12 =	vsub.f32 v11, v15;
	v10 =	vld.idx.msk [tilespmem:v3+s5+$0x0 ss:$0x1], $0xffff  }
0xf9: {  	v24 =	vadd.f32 v16, v13;
	s21 =	smov.u32 s5;
	v15 =	vsub.f32 v22, v18;
	v11 =	vld.idx.msk [tilespmem:v3+s0+$0x0 ss:$0x1], $0xffff;
	[tilespmem:v3+s13+$0x0 ss:$0x1] =	vst.idx.msk $0xffff, v7;
	s13 =	smov.u32 s8;
	s8 =	smov.u32 s0  }
0xfa: {  	v16 =	vadd.f32 v19, v14;
	s22 =	smov.u32 s23;
	s23 =	smov.u32 s19;
	v13 =	vld.idx.msk [tilespmem:v3+s2+$0x0 ss:$0x1], $0xffff;
	[tilespmem:v3+s24+$0x0 ss:$0x1] =	vst.idx.msk $0xffff, v12;
	v12 =	vsub.f32 v23, v20;
	s24 =	smov.u32 s2  }
0xfb: {  	s20 =	sadd.s32 $0x200, s20;
	s10 =	sadd.s32 $0x1000, s10;
	v7 =	vadd.f32 v21, v17;
	v14 =	vld.idx.msk [tilespmem:v3+s18+$0x0 ss:$0x1], $0xffff;
	[tilespmem:v3+s17+$0x0 ss:$0x1] =	vst.idx.msk $0xffff, v24;
	s17 =	smov.u32 s30  }
0xfc: {  	_ =	sdelay $0x3  }
0xfd: {  	v17 =	vmul.f32 v6, v4;
	v18 =	vmul.f32 v8, v5;
	[tilespmem:v3+s16+$0x0 ss:$0x1] =	vst.idx.msk $0xffff, v15  }
0xfe: {  	v46 =	vmul.f32 v6, v5;
	v47 =	vmul.f32 v8, v4;
	[tilespmem:v3+s22+$0x0 ss:$0x1] =	vst.idx.msk $0xffff, v12  }
0xff: {  	v48 =	vmul.f32 v9, v5;
	v49 =	vmul.f32 v9, v4;
	[tilespmem:v3+s28+$0x0 ss:$0x1] =	vst.idx.msk $0xffff, v16  }
0x100: {  	v51 =	vld.idx.msk [tilespmem:v3+s23+$0x0 ss:$0x1], $0xffff;
	v52 =	vmul.f32 v10, v5;
	v53 =	vmul.f32 v10, v4;
	[tilespmem:v3+s13+$0x0 ss:$0x1] =	vst.idx.msk $0xffff, v7  }
0x101: {  	v50 =	vsub.f32 v17, v18;
	v54 =	vmul.f32 v11, v5;
	v55 =	vmul.f32 v13, v4  }
0x102: {  	v6 =	vadd.f32 v47, v46;
	v56 =	vmul.f32 v11, v4;
	v57 =	vmul.f32 v13, v5  }
0x103: {  	[tilespmem:v3+s26+$0x0 ss:$0x1] =	vst.idx.msk $0xffff, v50;
	v58 =	vmul.f32 v14, v4;
	v59 =	vsub.f32 v55, v48  }
0x104: {  	s12 =	sadd.s32 $0x1, s12;
	v60 =	vmul.f32 v14, v5;
	[tilespmem:v3+s25+$0x0 ss:$0x1] =	vst.idx.msk $0xffff, v6;
	v9 =	vadd.f32 v49, v57  }
0x105: {  	p0 =	sne.s32 s12, $0x20;
	v61 =	vmul.f32 v51, v4;
	v6 =	vsub.f32 v58, v52;
	[tilespmem:v3+s24+$0x0 ss:$0x1] =	vst.idx.msk $0xffff, v59  }
.Ltmp3:
0x106: {  	v62 =	vmul.f32 v51, v5;
	v63 =	vadd.f32 v53, v60;
	[tilespmem:v3+s17+$0x0 ss:$0x1] =	vst.idx.msk $0xffff, v9;
	(pc) =	sbr.rel @p0 .LBB2_6-.Ltmp3, $4  }
0x107: {  	v4 =	vsub.f32 v61, v54;
	[tilespmem:v3+s18+$0x0 ss:$0x1] =	vst.idx.msk $0xffff, v6  }
0x108: {  	v5 =	vadd.f32 v56, v62;
	[tilespmem:v3+s21+$0x0 ss:$0x1] =	vst.idx.msk $0xffff, v63  }
0x109: {  	[tilespmem:v3+s23+$0x0 ss:$0x1] =	vst.idx.msk $0xffff, v4  }
0x10a: {  	[tilespmem:v3+s8+$0x0 ss:$0x1] =	vst.idx.msk $0xffff, v5  }
0x10b: {  	s11 =	simm.s32 $0x0  }
0x10c: {  	s0 =	rddreg [dreg:$0x7];
	s2 =	simm.s32 $0x8800;
	s13 =	simm.s32 $0x4  }
0x10d: {  	[hbm4b:s0+s11] =	stream.linear.scatter [tilespmem:s2], [sflag:$0x5], $0x8000, $0x38;
	[tilespmem:$0x18800] =	vst v63  }
0x10e: {  	_ =	swait.ge [sflag:s13], $0x8000  }
0x10f: {  	[sflag:s13] =	ssyncset.done $0x0  }
0x110: {  	[sflag:s13] =	ssyncadd.s32 $0xFFFF8000  }
0x111: {  	v3 =	vld [tilespmem:$0x180];
	_ =	sdelay $0x4  }
0x112: {  	v4 =	vshll.u32 v3, $0x3  }
0x113: {  	v3 =	vand.u32 $0x7, v3;
	v4 =	vand.u32 $0xFFFFFFC0, v4  }
0x114: {  	v3 =	vor.u32 v3, v4  }
0x115: {  	v4 =	vperm.xlane v3, v0;
	_ =	sdelay $0x1  }
0x116: {  	v4 =	vadd.s32 v1, v4;
	_ =	sdelay $0x3  }
0x117: {  	s14 =	simm.s32 $0x800  }
0x118: {  	[tilespmem:s14], [sflag:$0x1] =	stream.indirect_vreg.gather [hbm4b:s1+s11], $0x80, v4, vm0, $0xb8;
	[tilespmem:$0x18800] =	vst v63  }
0x119: {  	s15 =	simm.s32 $0x1000;
	v3 =	vperm.xlane v3, v2  }
0x11a: {  	[tilespmem:s15], [sflag:$0x1] =	stream.indirect_vreg.gather [hbm4b:s6+s11], $0x80, v4, vm0, $0xb8;
	[tilespmem:$0x18800] =	vst v63  }
0x11b: {  	s16 =	simm.s32 $0x1800;
	v3 =	vadd.s32 v1, v3  }
0x11c: {  	[tilespmem:s16], [sflag:$0x1] =	stream.indirect_vreg.gather [hbm4b:s7+s11], $0x80, v4, vm0, $0xb8;
	[tilespmem:$0x18800] =	vst v63  }
0x11d: {  	s17 =	simm.s32 $0x2000  }
0x11e: {  	[tilespmem:s17], [sflag:$0x1] =	stream.indirect_vreg.gather [hbm4b:s9+s11], $0x80, v4, vm0, $0xb8;
	[tilespmem:$0x18800] =	vst v63  }
0x11f: {  	s18 =	simm.s32 $0x2800  }
0x120: {  	[tilespmem:s18], [sflag:$0x1] =	stream.indirect_vreg.gather [hbm4b:s1+s11], $0x80, v3, vm0, $0xb8;
	[tilespmem:$0x18800] =	vst v63  }
0x121: {  	s19 =	simm.s32 $0x3000  }
0x122: {  	[tilespmem:s19], [sflag:$0x1] =	stream.indirect_vreg.gather [hbm4b:s6+s11], $0x80, v3, vm0, $0xb8;
	[tilespmem:$0x18800] =	vst v63  }
0x123: {  	s20 =	simm.s32 $0x3800  }
0x124: {  	[tilespmem:s20], [sflag:$0x1] =	stream.indirect_vreg.gather [hbm4b:s7+s11], $0x80, v3, vm0, $0xb8;
	[tilespmem:$0x18800] =	vst v63  }
0x125: {  	s21 =	simm.s32 $0x4000  }
0x126: {  	[tilespmem:s21], [sflag:$0x1] =	stream.indirect_vreg.gather [hbm4b:s9+s11], $0x80, v3, vm0, $0xb8;
	[tilespmem:$0x18800] =	vst v63  }
0x127: {  	v3 =	vld [tilespmem:$0x190];
	_ =	sdelay $0x4  }
0x128: {  	v63 =	vshll.u32 v3, $0x3  }
0x129: {  	v3 =	vand.u32 $0x7, v3;
	v4 =	vand.u32 $0xFFFFFFC0, v63  }
0x12a: {  	v3 =	vor.u32 v3, v4  }
0x12b: {  	v4 =	vperm.xlane v3, v0;
	_ =	sdelay $0x1  }
0x12c: {  	v4 =	vadd.s32 v1, v4;
	_ =	sdelay $0x3  }
0x12d: {  	s22 =	simm.s32 $0x4800  }
0x12e: {  	[tilespmem:s22], [sflag:$0x1] =	stream.indirect_vreg.gather [hbm4b:s1+s11], $0x80, v4, vm0, $0xb8;
	[tilespmem:$0x18800] =	vst v63  }
0x12f: {  	s23 =	simm.s32 $0x5000;
	v3 =	vperm.xlane v3, v2  }
0x130: {  	[tilespmem:s23], [sflag:$0x1] =	stream.indirect_vreg.gather [hbm4b:s6+s11], $0x80, v4, vm0, $0xb8;
	[tilespmem:$0x18800] =	vst v63  }
0x131: {  	s24 =	simm.s32 $0x5800;
	v3 =	vadd.s32 v1, v3  }
0x132: {  	[tilespmem:s24], [sflag:$0x1] =	stream.indirect_vreg.gather [hbm4b:s7+s11], $0x80, v4, vm0, $0xb8;
	[tilespmem:$0x18800] =	vst v63  }
0x133: {  	s25 =	simm.s32 $0x6000  }
0x134: {  	[tilespmem:s25], [sflag:$0x1] =	stream.indirect_vreg.gather [hbm4b:s9+s11], $0x80, v4, vm0, $0xb8;
	[tilespmem:$0x18800] =	vst v63  }
0x135: {  	s26 =	simm.s32 $0x6800  }
0x136: {  	[tilespmem:s26], [sflag:$0x1] =	stream.indirect_vreg.gather [hbm4b:s1+s11], $0x80, v3, vm0, $0xb8;
	[tilespmem:$0x18800] =	vst v63  }
0x137: {  	s28 =	simm.s32 $0x7000  }
0x138: {  	[tilespmem:s28], [sflag:$0x1] =	stream.indirect_vreg.gather [hbm4b:s6+s11], $0x80, v3, vm0, $0xb8;
	[tilespmem:$0x18800] =	vst v63  }
0x139: {  	s29 =	simm.s32 $0x7800  }
0x13a: {  	[tilespmem:s29], [sflag:$0x1] =	stream.indirect_vreg.gather [hbm4b:s7+s11], $0x80, v3, vm0, $0xb8;
	[tilespmem:$0x18800] =	vst v63  }
0x13b: {  	s30 =	simm.s32 $0x8000;
	s31 =	simm.s32 $0x3  }
0x13c: {  	[tilespmem:s30], [sflag:$0x1] =	stream.indirect_vreg.gather [hbm4b:s9+s11], $0x80, v3, vm0, $0xb8;
	[tilespmem:$0x18800] =	vst v63  }
0x13d: {  	_ =	swait.ge [sflag:s31], $0x8000  }
0x13e: {  	[sflag:s31] =	ssyncset.done $0x0  }
0x13f: {  	s12 =	simm.s32 $0x0;
	[sflag:s31] =	ssyncadd.s32 $0xFFFF8000  }
.LBB2_10:
0x140: {  	s0 =	sshll.u32 s12, $0x4  }
0x141: {  	s2 =	sshll.u32 s12, $0x5;
	s4 =	sshll.u32 s12, $0x9;
	s0 =	sand.u32 $0x70, s0  }
0x142: {  	s5 =	sshll.u32 s12, $0x7;
	s23 =	sand.u32 $0x6000, s11;
	s24 =	sand.u32 $0x200, s11;
	v3 =	vmov s0  }
0x143: {  	s2 =	sand.u32 $0x3FFFFF00, s2;
	s22 =	sand.u32 $0xFFFFF000, s4;
	s14 =	sand.u32 $0xC00, s5  }
0x144: {  	s4 =	sor.u32 $0x10800, s23;
	s2 =	sor.u32 s0, s2;
	s15 =	sshra.s32 s22, $0x2  }
0x145: {  	s25 =	sor.u32 $0x180, s24;
	v4 =	vld [tilespmem:s2+$0x400];
	s8 =	sadd.s32 s15, s4;
	s4 =	sadd.s32 s14, s4  }
0x146: {  	v5 =	vld [tilespmem:s2+$0x480];
	s4 =	sadd.s32 $0x1000, s4;
	s10 =	sadd.s32 s25, s8  }
0x147: {  	s5 =	sadd.s32 s25, s4;
	v6 =	vld.idx.msk [tilespmem:v3+s10+$0x0 ss:$0x1], $0xffff  }
0x148: {  	s17 =	sor.u32 $0x100, s24;
	s2 =	sadd.s32 s24, s4;
	v7 =	vld.idx.msk [tilespmem:v3+s5+$0x0 ss:$0x1], $0xffff  }
0x149: {  	s13 =	sadd.s32 s17, s4;
	v8 =	vld.idx.msk [tilespmem:v3+s2+$0x0 ss:$0x1], $0xffff  }
0x14a: {  	s26 =	simm.s32 $0x1000;
	s16 =	sor.u32 $0x80, s24;
	s0 =	sadd.s32 s24, s8;
	v10 =	vld.idx.msk [tilespmem:v3+s13+$0x0 ss:$0x1], $0xffff  }
0x14b: {  	s18 =	simm.s32 $0x200;
	s28 =	sadd.s32 s16, s4;
	s4 =	sand.u32 $0x6000, s26;
	v11 =	vld.idx.msk [tilespmem:v3+s0+$0x0 ss:$0x1], $0xffff  }
0x14c: {  	s18 =	sand.u32 $0x200, s18;
	s4 =	sor.u32 $0x10800, s4;
	v9 =	vld.idx.msk [tilespmem:v3+s28+$0x0 ss:$0x1], $0xffff;
	v12 =	vmul.f32 v6, v4  }
0x14d: {  	s16 =	sadd.s32 s16, s8;
	s19 =	sadd.s32 s15, s4;
	s4 =	sadd.s32 s14, s4;
	v13 =	vmul.f32 v7, v5;
	v6 =	vmul.f32 v6, v5  }
0x14e: {  	s20 =	sor.u32 $0x80, s18;
	s22 =	sadd.s32 s17, s8;
	v14 =	vld.idx.msk [tilespmem:v3+s16+$0x0 ss:$0x1], $0xffff;
	s4 =	sadd.s32 $0x1000, s4;
	v7 =	vmul.f32 v7, v4;
	v16 =	vmul.f32 v8, v5  }
0x14f: {  	s30 =	sor.u32 $0x180, s18;
	v15 =	vld.idx.msk [tilespmem:v3+s22+$0x0 ss:$0x1], $0xffff;
	s21 =	sadd.s32 s20, s4;
	v17 =	vmul.f32 v8, v4;
	v19 =	vmul.f32 v10, v5  }
0x150: {  	s26 =	sadd.s32 s30, s19;
	v20 =	vmul.f32 v10, v4;
	v10 =	vld.idx.msk [tilespmem:v3+s21+$0x0 ss:$0x1], $0xffff;
	v8 =	vsub.f32 v12, v13;
	v13 =	vmul.f32 v11, v4  }
0x151: {  	s25 =	sadd.s32 s30, s4;
	v18 =	vmul.f32 v9, v4;
	v21 =	vmul.f32 v11, v5;
	v7 =	vadd.f32 v7, v6;
	v6 =	vld.idx.msk [tilespmem:v3+s26+$0x0 ss:$0x1], $0xffff  }
0x152: {  	s31 =	sor.u32 $0x100, s18;
	s17 =	sadd.s32 s18, s4;
	v12 =	vmul.f32 v9, v5;
	[tilespmem:v3+s10+$0x0 ss:$0x1] =	vst.idx.msk $0xffff, v8;
	v8 =	vld.idx.msk [tilespmem:v3+s25+$0x0 ss:$0x1], $0xffff;
	v16 =	vsub.f32 v13, v16  }
0x153: {  	s8 =	sadd.s32 s31, s4;
	v9 =	vld.idx.msk [tilespmem:v3+s17+$0x0 ss:$0x1], $0xffff;
	[tilespmem:v3+s5+$0x0 ss:$0x1] =	vst.idx.msk $0xffff, v7;
	v7 =	vmul.f32 v14, v4;
	v14 =	vmul.f32 v14, v5  }
0x154: {  	s24 =	sadd.s32 s18, s19;
	v22 =	vmul.f32 v15, v4;
	v23 =	vmul.f32 v15, v5;
	v11 =	vld.idx.msk [tilespmem:v3+s8+$0x0 ss:$0x1], $0xffff;
	v17 =	vadd.f32 v17, v21  }
0x155: {  	s29 =	simm.s32 $0x4;
	s18 =	sadd.s32 s20, s19;
	v13 =	vld.idx.msk [tilespmem:v3+s24+$0x0 ss:$0x1], $0xffff;
	[tilespmem:v3+s0+$0x0 ss:$0x1] =	vst.idx.msk $0xffff, v16;
	v15 =	vsub.f32 v7, v12;
	v16 =	vadd.f32 v18, v14  }
0x156: {  	s23 =	sadd.s32 s31, s19;
	s20 =	simm.s32 $0x400;
	s10 =	simm.s32 $0x2000;
	v12 =	vsub.f32 v22, v19;
	v14 =	vld.idx.msk [tilespmem:v3+s18+$0x0 ss:$0x1], $0xffff;
	[tilespmem:v3+s2+$0x0 ss:$0x1] =	vst.idx.msk $0xffff, v17;
	v7 =	vadd.f32 v20, v23  }
.LBB2_11:
0x157: {  	s0 =	sand.u32 $0x6000, s10;
	s2 =	sand.u32 $0x200, s20;
	v17 =	vld.idx.msk [tilespmem:v3+s23+$0x0 ss:$0x1], $0xffff;
	v18 =	vmul.f32 v6, v4;
	v19 =	vmul.f32 v8, v5;
	[tilespmem:v3+s16+$0x0 ss:$0x1] =	vst.idx.msk $0xffff, v15;
	s16 =	smov.u32 s18  }
0x158: {  	s29 =	sadd.s32 $0x4, s29;
	v6 =	vmul.f32 v6, v5;
	v8 =	vmul.f32 v8, v4;
	s0 =	sor.u32 $0x10800, s0;
	s4 =	sor.u32 $0x180, s2;
	[tilespmem:v3+s28+$0x0 ss:$0x1] =	vst.idx.msk $0xffff, v16  }
0x159: {  	v15 =	vmul.f32 v9, v5;
	p0 =	slt.u32 s29, $0x1C;
	v16 =	vmul.f32 v9, v4;
	s5 =	sadd.s32 s15, s0;
	s0 =	sadd.s32 s14, s0;
	v9 =	vsub.f32 v18, v19  }
0x15a: {  	s18 =	sor.u32 $0x80, s2;
	v18 =	vmul.f32 v10, v5;
	v19 =	vmul.f32 v10, v4;
	v10 =	vadd.f32 v8, v6;
	s0 =	sadd.s32 $0x1000, s0;
	s19 =	sadd.s32 s4, s5  }
0x15b: {  	s28 =	sor.u32 $0x100, s2;
	v20 =	vmul.f32 v11, v5;
	v21 =	vmul.f32 v11, v4;
	s30 =	sadd.s32 s2, s0;
	v6 =	vld.idx.msk [tilespmem:v3+s19+$0x0 ss:$0x1], $0xffff;
	s4 =	sadd.s32 s4, s0;
	[tilespmem:v3+s26+$0x0 ss:$0x1] =	vst.idx.msk $0xffff, v9  }
0x15c: {  	v11 =	vmul.f32 v13, v4;
	v13 =	vmul.f32 v13, v5;
	s2 =	sadd.s32 s2, s5;
	s31 =	sadd.s32 s18, s0;
	s0 =	sadd.s32 s28, s0;
	v8 =	vld.idx.msk [tilespmem:v3+s4+$0x0 ss:$0x1], $0xffff;
	[tilespmem:v3+s25+$0x0 ss:$0x1] =	vst.idx.msk $0xffff, v10  }
.Ltmp4:
0x15d: {  	s18 =	sadd.s32 s18, s5;
	s5 =	sadd.s32 s28, s5;
	v22 =	vmul.f32 v14, v4;
	v14 =	vmul.f32 v14, v5;
	v9 =	vld.idx.msk [tilespmem:v3+s30+$0x0 ss:$0x1], $0xffff;
	[tilespmem:v3+s22+$0x0 ss:$0x1] =	vst.idx.msk $0xffff, v12;
	(pc) =	sbr.rel @p0 .LBB2_11-.Ltmp4, $4  }
0x15e: {  	s26 =	smov.u32 s19;
	s28 =	smov.u32 s21;
	v23 =	vmul.f32 v17, v4;
	v17 =	vmul.f32 v17, v5;
	s25 =	smov.u32 s4;
	v12 =	vsub.f32 v11, v15;
	v10 =	vld.idx.msk [tilespmem:v3+s31+$0x0 ss:$0x1], $0xffff  }
0x15f: {  	v24 =	vadd.f32 v16, v13;
	s21 =	smov.u32 s31;
	v15 =	vsub.f32 v22, v18;
	v11 =	vld.idx.msk [tilespmem:v3+s0+$0x0 ss:$0x1], $0xffff;
	[tilespmem:v3+s13+$0x0 ss:$0x1] =	vst.idx.msk $0xffff, v7;
	s13 =	smov.u32 s8;
	s8 =	smov.u32 s0  }
0x160: {  	v16 =	vadd.f32 v19, v14;
	s22 =	smov.u32 s23;
	s23 =	smov.u32 s5;
	v13 =	vld.idx.msk [tilespmem:v3+s2+$0x0 ss:$0x1], $0xffff;
	[tilespmem:v3+s24+$0x0 ss:$0x1] =	vst.idx.msk $0xffff, v12;
	v12 =	vsub.f32 v23, v20;
	s24 =	smov.u32 s2  }
0x161: {  	s20 =	sadd.s32 $0x200, s20;
	s10 =	sadd.s32 $0x1000, s10;
	v7 =	vadd.f32 v21, v17;
	v14 =	vld.idx.msk [tilespmem:v3+s18+$0x0 ss:$0x1], $0xffff;
	[tilespmem:v3+s17+$0x0 ss:$0x1] =	vst.idx.msk $0xffff, v24;
	s17 =	smov.u32 s30  }
0x162: {  	_ =	sdelay $0x3  }
0x163: {  	v17 =	vmul.f32 v6, v4;
	v18 =	vmul.f32 v8, v5;
	[tilespmem:v3+s16+$0x0 ss:$0x1] =	vst.idx.msk $0xffff, v15  }
0x164: {  	v46 =	vmul.f32 v6, v5;
	v47 =	vmul.f32 v8, v4;
	[tilespmem:v3+s22+$0x0 ss:$0x1] =	vst.idx.msk $0xffff, v12  }
0x165: {  	v48 =	vmul.f32 v9, v5;
	v49 =	vmul.f32 v9, v4;
	[tilespmem:v3+s28+$0x0 ss:$0x1] =	vst.idx.msk $0xffff, v16  }
0x166: {  	v51 =	vld.idx.msk [tilespmem:v3+s23+$0x0 ss:$0x1], $0xffff;
	v52 =	vmul.f32 v10, v5;
	v53 =	vmul.f32 v10, v4;
	[tilespmem:v3+s13+$0x0 ss:$0x1] =	vst.idx.msk $0xffff, v7  }
0x167: {  	v50 =	vsub.f32 v17, v18;
	v54 =	vmul.f32 v11, v5;
	v55 =	vmul.f32 v13, v4  }
0x168: {  	v6 =	vadd.f32 v47, v46;
	v56 =	vmul.f32 v11, v4;
	v57 =	vmul.f32 v13, v5  }
0x169: {  	[tilespmem:v3+s26+$0x0 ss:$0x1] =	vst.idx.msk $0xffff, v50;
	v58 =	vmul.f32 v14, v4;
	v59 =	vsub.f32 v55, v48  }
0x16a: {  	s12 =	sadd.s32 $0x1, s12;
	v60 =	vmul.f32 v14, v5;
	[tilespmem:v3+s25+$0x0 ss:$0x1] =	vst.idx.msk $0xffff, v6;
	v9 =	vadd.f32 v49, v57  }
0x16b: {  	p0 =	sne.s32 s12, $0x20;
	v61 =	vmul.f32 v51, v4;
	v6 =	vsub.f32 v58, v52;
	[tilespmem:v3+s24+$0x0 ss:$0x1] =	vst.idx.msk $0xffff, v59  }
.Ltmp5:
0x16c: {  	v62 =	vmul.f32 v51, v5;
	v63 =	vadd.f32 v53, v60;
	[tilespmem:v3+s17+$0x0 ss:$0x1] =	vst.idx.msk $0xffff, v9;
	(pc) =	sbr.rel @p0 .LBB2_10-.Ltmp5, $4  }
0x16d: {  	v4 =	vsub.f32 v61, v54;
	[tilespmem:v3+s18+$0x0 ss:$0x1] =	vst.idx.msk $0xffff, v6  }
0x16e: {  	v5 =	vadd.f32 v56, v62;
	[tilespmem:v3+s21+$0x0 ss:$0x1] =	vst.idx.msk $0xffff, v63  }
0x16f: {  	[tilespmem:v3+s23+$0x0 ss:$0x1] =	vst.idx.msk $0xffff, v4  }
0x170: {  	[tilespmem:v3+s8+$0x0 ss:$0x1] =	vst.idx.msk $0xffff, v5  }
0x171: {  	s11 =	simm.s32 $0x0  }
0x172: {  	s0 =	rddreg [dreg:$0x8];
	s2 =	simm.s32 $0x10800;
	s13 =	simm.s32 $0x5  }
0x173: {  	[hbm4b:s0+s11] =	stream.linear.scatter [tilespmem:s2], [sflag:$0x6], $0x8000, $0x38;
	[tilespmem:$0x18800] =	vst v63  }
0x174: {  	_ =	swait.ge [sflag:s13], $0x8000  }
0x175: {  	[sflag:s13] =	ssyncset.done $0x0  }
0x176: {  	[sflag:s13] =	ssyncadd.s32 $0xFFFF8000  }
0x177: {  	v3 =	vld [tilespmem:$0x200];
	_ =	sdelay $0x4  }
0x178: {  	v4 =	vshll.u32 v3, $0x3  }
0x179: {  	v3 =	vand.u32 $0x7, v3;
	v4 =	vand.u32 $0xFFFFFFC0, v4  }
0x17a: {  	v3 =	vor.u32 v3, v4  }
0x17b: {  	v4 =	vperm.xlane v3, v0;
	_ =	sdelay $0x1  }
0x17c: {  	v4 =	vadd.s32 v1, v4;
	_ =	sdelay $0x3  }
0x17d: {  	s14 =	simm.s32 $0x8800  }
0x17e: {  	[tilespmem:s14], [sflag:$0x2] =	stream.indirect_vreg.gather [hbm4b:s1+s11], $0x80, v4, vm0, $0xb8;
	[tilespmem:$0x18800] =	vst v63  }
0x17f: {  	s15 =	simm.s32 $0x9000;
	v3 =	vperm.xlane v3, v2  }
0x180: {  	[tilespmem:s15], [sflag:$0x2] =	stream.indirect_vreg.gather [hbm4b:s6+s11], $0x80, v4, vm0, $0xb8;
	[tilespmem:$0x18800] =	vst v63  }
0x181: {  	s16 =	simm.s32 $0x9800;
	v3 =	vadd.s32 v1, v3  }
0x182: {  	[tilespmem:s16], [sflag:$0x2] =	stream.indirect_vreg.gather [hbm4b:s7+s11], $0x80, v4, vm0, $0xb8;
	[tilespmem:$0x18800] =	vst v63  }
0x183: {  	s17 =	simm.s32 $0xA000  }
0x184: {  	[tilespmem:s17], [sflag:$0x2] =	stream.indirect_vreg.gather [hbm4b:s9+s11], $0x80, v4, vm0, $0xb8;
	[tilespmem:$0x18800] =	vst v63  }
0x185: {  	s18 =	simm.s32 $0xA800  }
0x186: {  	[tilespmem:s18], [sflag:$0x2] =	stream.indirect_vreg.gather [hbm4b:s1+s11], $0x80, v3, vm0, $0xb8;
	[tilespmem:$0x18800] =	vst v63  }
0x187: {  	s19 =	simm.s32 $0xB000  }
0x188: {  	[tilespmem:s19], [sflag:$0x2] =	stream.indirect_vreg.gather [hbm4b:s6+s11], $0x80, v3, vm0, $0xb8;
	[tilespmem:$0x18800] =	vst v63  }
0x189: {  	s20 =	simm.s32 $0xB800  }
0x18a: {  	[tilespmem:s20], [sflag:$0x2] =	stream.indirect_vreg.gather [hbm4b:s7+s11], $0x80, v3, vm0, $0xb8;
	[tilespmem:$0x18800] =	vst v63  }
0x18b: {  	s21 =	simm.s32 $0xC000  }
0x18c: {  	[tilespmem:s21], [sflag:$0x2] =	stream.indirect_vreg.gather [hbm4b:s9+s11], $0x80, v3, vm0, $0xb8;
	[tilespmem:$0x18800] =	vst v63  }
0x18d: {  	v3 =	vld [tilespmem:$0x210];
	_ =	sdelay $0x4  }
0x18e: {  	v63 =	vshll.u32 v3, $0x3  }
0x18f: {  	v3 =	vand.u32 $0x7, v3;
	v4 =	vand.u32 $0xFFFFFFC0, v63  }
0x190: {  	v3 =	vor.u32 v3, v4  }
0x191: {  	v4 =	vperm.xlane v3, v0;
	_ =	sdelay $0x1  }
0x192: {  	v4 =	vadd.s32 v1, v4;
	_ =	sdelay $0x3  }
0x193: {  	s22 =	simm.s32 $0xC800  }
0x194: {  	[tilespmem:s22], [sflag:$0x2] =	stream.indirect_vreg.gather [hbm4b:s1+s11], $0x80, v4, vm0, $0xb8;
	[tilespmem:$0x18800] =	vst v63  }
0x195: {  	s23 =	simm.s32 $0xD000;
	v3 =	vperm.xlane v3, v2  }
0x196: {  	[tilespmem:s23], [sflag:$0x2] =	stream.indirect_vreg.gather [hbm4b:s6+s11], $0x80, v4, vm0, $0xb8;
	[tilespmem:$0x18800] =	vst v63  }
0x197: {  	s24 =	simm.s32 $0xD800;
	v3 =	vadd.s32 v1, v3  }
0x198: {  	[tilespmem:s24], [sflag:$0x2] =	stream.indirect_vreg.gather [hbm4b:s7+s11], $0x80, v4, vm0, $0xb8;
	[tilespmem:$0x18800] =	vst v63  }
0x199: {  	s25 =	simm.s32 $0xE000  }
0x19a: {  	[tilespmem:s25], [sflag:$0x2] =	stream.indirect_vreg.gather [hbm4b:s9+s11], $0x80, v4, vm0, $0xb8;
	[tilespmem:$0x18800] =	vst v63  }
0x19b: {  	s26 =	simm.s32 $0xE800  }
0x19c: {  	[tilespmem:s26], [sflag:$0x2] =	stream.indirect_vreg.gather [hbm4b:s1+s11], $0x80, v3, vm0, $0xb8;
	[tilespmem:$0x18800] =	vst v63  }
0x19d: {  	s28 =	simm.s32 $0xF000  }
0x19e: {  	[tilespmem:s28], [sflag:$0x2] =	stream.indirect_vreg.gather [hbm4b:s6+s11], $0x80, v3, vm0, $0xb8;
	[tilespmem:$0x18800] =	vst v63  }
0x19f: {  	s29 =	simm.s32 $0xF800  }
0x1a0: {  	[tilespmem:s29], [sflag:$0x2] =	stream.indirect_vreg.gather [hbm4b:s7+s11], $0x80, v3, vm0, $0xb8;
	[tilespmem:$0x18800] =	vst v63  }
0x1a1: {  	s30 =	simm.s32 $0x10000;
	s31 =	simm.s32 $0x1  }
0x1a2: {  	[tilespmem:s30], [sflag:$0x2] =	stream.indirect_vreg.gather [hbm4b:s9+s11], $0x80, v3, vm0, $0xb8;
	[tilespmem:$0x18800] =	vst v63  }
0x1a3: {  	_ =	swait.ge [sflag:s31], $0x8000  }
0x1a4: {  	[sflag:s31] =	ssyncset.done $0x0  }
0x1a5: {  	s12 =	simm.s32 $0x0;
	[sflag:s31] =	ssyncadd.s32 $0xFFFF8000  }
.LBB2_14:
0x1a6: {  	s0 =	sshll.u32 s12, $0x4  }
0x1a7: {  	s2 =	sshll.u32 s12, $0x5;
	s4 =	sshll.u32 s12, $0x9;
	s0 =	sand.u32 $0x70, s0  }
0x1a8: {  	s5 =	sshll.u32 s12, $0x7;
	s23 =	sand.u32 $0x6000, s11;
	s24 =	sand.u32 $0x200, s11;
	v3 =	vmov s0  }
0x1a9: {  	s2 =	sand.u32 $0x3FFFFF00, s2;
	s22 =	sand.u32 $0xFFFFF000, s4;
	s14 =	sand.u32 $0xC00, s5  }
0x1aa: {  	s4 =	sor.u32 $0x800, s23;
	s2 =	sor.u32 s0, s2;
	s15 =	sshra.s32 s22, $0x2  }
0x1ab: {  	s25 =	sor.u32 $0x180, s24;
	v4 =	vld [tilespmem:s2+$0x400];
	s8 =	sadd.s32 s15, s4;
	s4 =	sadd.s32 s14, s4  }
0x1ac: {  	v5 =	vld [tilespmem:s2+$0x480];
	s4 =	sadd.s32 $0x1000, s4;
	s10 =	sadd.s32 s25, s8  }
0x1ad: {  	s5 =	sadd.s32 s25, s4;
	v6 =	vld.idx.msk [tilespmem:v3+s10+$0x0 ss:$0x1], $0xffff  }
0x1ae: {  	s17 =	sor.u32 $0x100, s24;
	s2 =	sadd.s32 s24, s4;
	v7 =	vld.idx.msk [tilespmem:v3+s5+$0x0 ss:$0x1], $0xffff  }
0x1af: {  	s13 =	sadd.s32 s17, s4;
	v8 =	vld.idx.msk [tilespmem:v3+s2+$0x0 ss:$0x1], $0xffff  }
0x1b0: {  	s26 =	simm.s32 $0x1000;
	s16 =	sor.u32 $0x80, s24;
	s0 =	sadd.s32 s24, s8;
	v10 =	vld.idx.msk [tilespmem:v3+s13+$0x0 ss:$0x1], $0xffff  }
0x1b1: {  	s18 =	simm.s32 $0x200;
	s28 =	sadd.s32 s16, s4;
	s4 =	sand.u32 $0x6000, s26;
	v11 =	vld.idx.msk [tilespmem:v3+s0+$0x0 ss:$0x1], $0xffff  }
0x1b2: {  	s18 =	sand.u32 $0x200, s18;
	s4 =	sor.u32 $0x800, s4;
	v9 =	vld.idx.msk [tilespmem:v3+s28+$0x0 ss:$0x1], $0xffff;
	v12 =	vmul.f32 v6, v4  }
0x1b3: {  	s16 =	sadd.s32 s16, s8;
	s19 =	sadd.s32 s15, s4;
	s4 =	sadd.s32 s14, s4;
	v13 =	vmul.f32 v7, v5;
	v6 =	vmul.f32 v6, v5  }
0x1b4: {  	s20 =	sor.u32 $0x80, s18;
	s22 =	sadd.s32 s17, s8;
	v14 =	vld.idx.msk [tilespmem:v3+s16+$0x0 ss:$0x1], $0xffff;
	s4 =	sadd.s32 $0x1000, s4;
	v7 =	vmul.f32 v7, v4;
	v16 =	vmul.f32 v8, v5  }
0x1b5: {  	s30 =	sor.u32 $0x180, s18;
	v15 =	vld.idx.msk [tilespmem:v3+s22+$0x0 ss:$0x1], $0xffff;
	s21 =	sadd.s32 s20, s4;
	v17 =	vmul.f32 v8, v4;
	v19 =	vmul.f32 v10, v5  }
0x1b6: {  	s26 =	sadd.s32 s30, s19;
	v20 =	vmul.f32 v10, v4;
	v10 =	vld.idx.msk [tilespmem:v3+s21+$0x0 ss:$0x1], $0xffff;
	v8 =	vsub.f32 v12, v13;
	v13 =	vmul.f32 v11, v4  }
0x1b7: {  	s25 =	sadd.s32 s30, s4;
	v18 =	vmul.f32 v9, v4;
	v21 =	vmul.f32 v11, v5;
	v7 =	vadd.f32 v7, v6;
	v6 =	vld.idx.msk [tilespmem:v3+s26+$0x0 ss:$0x1], $0xffff  }
0x1b8: {  	s31 =	sor.u32 $0x100, s18;
	s17 =	sadd.s32 s18, s4;
	v12 =	vmul.f32 v9, v5;
	[tilespmem:v3+s10+$0x0 ss:$0x1] =	vst.idx.msk $0xffff, v8;
	v8 =	vld.idx.msk [tilespmem:v3+s25+$0x0 ss:$0x1], $0xffff;
	v16 =	vsub.f32 v13, v16  }
0x1b9: {  	s8 =	sadd.s32 s31, s4;
	v9 =	vld.idx.msk [tilespmem:v3+s17+$0x0 ss:$0x1], $0xffff;
	[tilespmem:v3+s5+$0x0 ss:$0x1] =	vst.idx.msk $0xffff, v7;
	v7 =	vmul.f32 v14, v4;
	v14 =	vmul.f32 v14, v5  }
0x1ba: {  	s24 =	sadd.s32 s18, s19;
	v22 =	vmul.f32 v15, v4;
	v23 =	vmul.f32 v15, v5;
	v11 =	vld.idx.msk [tilespmem:v3+s8+$0x0 ss:$0x1], $0xffff;
	v17 =	vadd.f32 v17, v21  }
0x1bb: {  	s29 =	simm.s32 $0x4;
	s18 =	sadd.s32 s20, s19;
	v13 =	vld.idx.msk [tilespmem:v3+s24+$0x0 ss:$0x1], $0xffff;
	[tilespmem:v3+s0+$0x0 ss:$0x1] =	vst.idx.msk $0xffff, v16;
	v15 =	vsub.f32 v7, v12;
	v16 =	vadd.f32 v18, v14  }
0x1bc: {  	s23 =	sadd.s32 s31, s19;
	s20 =	simm.s32 $0x400;
	s10 =	simm.s32 $0x2000;
	v12 =	vsub.f32 v22, v19;
	v14 =	vld.idx.msk [tilespmem:v3+s18+$0x0 ss:$0x1], $0xffff;
	[tilespmem:v3+s2+$0x0 ss:$0x1] =	vst.idx.msk $0xffff, v17;
	v7 =	vadd.f32 v20, v23  }
.LBB2_15:
0x1bd: {  	s0 =	sand.u32 $0x6000, s10;
	s2 =	sand.u32 $0x200, s20;
	v17 =	vld.idx.msk [tilespmem:v3+s23+$0x0 ss:$0x1], $0xffff;
	v18 =	vmul.f32 v6, v4;
	v19 =	vmul.f32 v8, v5;
	[tilespmem:v3+s16+$0x0 ss:$0x1] =	vst.idx.msk $0xffff, v15;
	s16 =	smov.u32 s18  }
0x1be: {  	s29 =	sadd.s32 $0x4, s29;
	v6 =	vmul.f32 v6, v5;
	v8 =	vmul.f32 v8, v4;
	s0 =	sor.u32 $0x800, s0;
	s4 =	sor.u32 $0x180, s2;
	[tilespmem:v3+s28+$0x0 ss:$0x1] =	vst.idx.msk $0xffff, v16  }
0x1bf: {  	v15 =	vmul.f32 v9, v5;
	p0 =	slt.u32 s29, $0x1C;
	v16 =	vmul.f32 v9, v4;
	s5 =	sadd.s32 s15, s0;
	s0 =	sadd.s32 s14, s0;
	v9 =	vsub.f32 v18, v19  }
0x1c0: {  	s18 =	sor.u32 $0x80, s2;
	v18 =	vmul.f32 v10, v5;
	v19 =	vmul.f32 v10, v4;
	v10 =	vadd.f32 v8, v6;
	s0 =	sadd.s32 $0x1000, s0;
	s19 =	sadd.s32 s4, s5  }
0x1c1: {  	s28 =	sor.u32 $0x100, s2;
	v20 =	vmul.f32 v11, v5;
	v21 =	vmul.f32 v11, v4;
	s30 =	sadd.s32 s2, s0;
	v6 =	vld.idx.msk [tilespmem:v3+s19+$0x0 ss:$0x1], $0xffff;
	s4 =	sadd.s32 s4, s0;
	[tilespmem:v3+s26+$0x0 ss:$0x1] =	vst.idx.msk $0xffff, v9  }
0x1c2: {  	v11 =	vmul.f32 v13, v4;
	v13 =	vmul.f32 v13, v5;
	s2 =	sadd.s32 s2, s5;
	s31 =	sadd.s32 s18, s0;
	s0 =	sadd.s32 s28, s0;
	v8 =	vld.idx.msk [tilespmem:v3+s4+$0x0 ss:$0x1], $0xffff;
	[tilespmem:v3+s25+$0x0 ss:$0x1] =	vst.idx.msk $0xffff, v10  }
.Ltmp6:
0x1c3: {  	s18 =	sadd.s32 s18, s5;
	s5 =	sadd.s32 s28, s5;
	v22 =	vmul.f32 v14, v4;
	v14 =	vmul.f32 v14, v5;
	v9 =	vld.idx.msk [tilespmem:v3+s30+$0x0 ss:$0x1], $0xffff;
	[tilespmem:v3+s22+$0x0 ss:$0x1] =	vst.idx.msk $0xffff, v12;
	(pc) =	sbr.rel @p0 .LBB2_15-.Ltmp6, $4  }
0x1c4: {  	s26 =	smov.u32 s19;
	s28 =	smov.u32 s21;
	v23 =	vmul.f32 v17, v4;
	v17 =	vmul.f32 v17, v5;
	s25 =	smov.u32 s4;
	v12 =	vsub.f32 v11, v15;
	v10 =	vld.idx.msk [tilespmem:v3+s31+$0x0 ss:$0x1], $0xffff  }
0x1c5: {  	v24 =	vadd.f32 v16, v13;
	s21 =	smov.u32 s31;
	v15 =	vsub.f32 v22, v18;
	v11 =	vld.idx.msk [tilespmem:v3+s0+$0x0 ss:$0x1], $0xffff;
	[tilespmem:v3+s13+$0x0 ss:$0x1] =	vst.idx.msk $0xffff, v7;
	s13 =	smov.u32 s8;
	s8 =	smov.u32 s0  }
0x1c6: {  	v16 =	vadd.f32 v19, v14;
	s22 =	smov.u32 s23;
	s23 =	smov.u32 s5;
	v13 =	vld.idx.msk [tilespmem:v3+s2+$0x0 ss:$0x1], $0xffff;
	[tilespmem:v3+s24+$0x0 ss:$0x1] =	vst.idx.msk $0xffff, v12;
	v12 =	vsub.f32 v23, v20;
	s24 =	smov.u32 s2  }
0x1c7: {  	s20 =	sadd.s32 $0x200, s20;
	s10 =	sadd.s32 $0x1000, s10;
	v7 =	vadd.f32 v21, v17;
	v14 =	vld.idx.msk [tilespmem:v3+s18+$0x0 ss:$0x1], $0xffff;
	[tilespmem:v3+s17+$0x0 ss:$0x1] =	vst.idx.msk $0xffff, v24;
	s17 =	smov.u32 s30  }
0x1c8: {  	_ =	sdelay $0x3  }
0x1c9: {  	v17 =	vmul.f32 v6, v4;
	v18 =	vmul.f32 v8, v5;
	[tilespmem:v3+s16+$0x0 ss:$0x1] =	vst.idx.msk $0xffff, v15  }
0x1ca: {  	v46 =	vmul.f32 v6, v5;
	v47 =	vmul.f32 v8, v4;
	[tilespmem:v3+s22+$0x0 ss:$0x1] =	vst.idx.msk $0xffff, v12  }
0x1cb: {  	v48 =	vmul.f32 v9, v5;
	v49 =	vmul.f32 v9, v4;
	[tilespmem:v3+s28+$0x0 ss:$0x1] =	vst.idx.msk $0xffff, v16  }
0x1cc: {  	v51 =	vld.idx.msk [tilespmem:v3+s23+$0x0 ss:$0x1], $0xffff;
	v52 =	vmul.f32 v10, v5;
	v53 =	vmul.f32 v10, v4;
	[tilespmem:v3+s13+$0x0 ss:$0x1] =	vst.idx.msk $0xffff, v7  }
0x1cd: {  	v50 =	vsub.f32 v17, v18;
	v54 =	vmul.f32 v11, v5;
	v55 =	vmul.f32 v13, v4  }
0x1ce: {  	v6 =	vadd.f32 v47, v46;
	v56 =	vmul.f32 v11, v4;
	v57 =	vmul.f32 v13, v5  }
0x1cf: {  	[tilespmem:v3+s26+$0x0 ss:$0x1] =	vst.idx.msk $0xffff, v50;
	v58 =	vmul.f32 v14, v4;
	v59 =	vsub.f32 v55, v48  }
0x1d0: {  	s12 =	sadd.s32 $0x1, s12;
	v60 =	vmul.f32 v14, v5;
	[tilespmem:v3+s25+$0x0 ss:$0x1] =	vst.idx.msk $0xffff, v6;
	v9 =	vadd.f32 v49, v57  }
0x1d1: {  	p0 =	sne.s32 s12, $0x20;
	v61 =	vmul.f32 v51, v4;
	v6 =	vsub.f32 v58, v52;
	[tilespmem:v3+s24+$0x0 ss:$0x1] =	vst.idx.msk $0xffff, v59  }
.Ltmp7:
0x1d2: {  	v62 =	vmul.f32 v51, v5;
	v63 =	vadd.f32 v53, v60;
	[tilespmem:v3+s17+$0x0 ss:$0x1] =	vst.idx.msk $0xffff, v9;
	(pc) =	sbr.rel @p0 .LBB2_14-.Ltmp7, $4  }
0x1d3: {  	v4 =	vsub.f32 v61, v54;
	[tilespmem:v3+s18+$0x0 ss:$0x1] =	vst.idx.msk $0xffff, v6  }
0x1d4: {  	v5 =	vadd.f32 v56, v62;
	[tilespmem:v3+s21+$0x0 ss:$0x1] =	vst.idx.msk $0xffff, v63  }
0x1d5: {  	[tilespmem:v3+s23+$0x0 ss:$0x1] =	vst.idx.msk $0xffff, v4  }
0x1d6: {  	[tilespmem:v3+s8+$0x0 ss:$0x1] =	vst.idx.msk $0xffff, v5  }
0x1d7: {  	s11 =	simm.s32 $0x0  }
0x1d8: {  	s0 =	rddreg [dreg:$0x9];
	s2 =	simm.s32 $0x800;
	s13 =	simm.s32 $0x6  }
0x1d9: {  	[hbm4b:s0+s11] =	stream.linear.scatter [tilespmem:s2], [sflag:$0x4], $0x8000, $0x38;
	[tilespmem:$0x18800] =	vst v63  }
0x1da: {  	_ =	swait.ge [sflag:s13], $0x8000  }
0x1db: {  	[sflag:s13] =	ssyncset.done $0x0  }
0x1dc: {  	[sflag:s13] =	ssyncadd.s32 $0xFFFF8000  }
0x1dd: {  	v3 =	vld [tilespmem:$0x280];
	_ =	sdelay $0x4  }
0x1de: {  	v4 =	vshll.u32 v3, $0x3  }
0x1df: {  	v3 =	vand.u32 $0x7, v3;
	v4 =	vand.u32 $0xFFFFFFC0, v4  }
0x1e0: {  	v3 =	vor.u32 v3, v4  }
0x1e1: {  	v4 =	vperm.xlane v3, v0;
	_ =	sdelay $0x1  }
0x1e2: {  	v4 =	vadd.s32 v1, v4;
	_ =	sdelay $0x3  }
0x1e3: {  	s14 =	simm.s32 $0x10800  }
0x1e4: {  	[tilespmem:s14], [sflag:$0x3] =	stream.indirect_vreg.gather [hbm4b:s1+s11], $0x80, v4, vm0, $0xb8;
	[tilespmem:$0x18800] =	vst v63  }
0x1e5: {  	s15 =	simm.s32 $0x11000;
	v3 =	vperm.xlane v3, v2  }
0x1e6: {  	[tilespmem:s15], [sflag:$0x3] =	stream.indirect_vreg.gather [hbm4b:s6+s11], $0x80, v4, vm0, $0xb8;
	[tilespmem:$0x18800] =	vst v63  }
0x1e7: {  	s16 =	simm.s32 $0x11800;
	v3 =	vadd.s32 v1, v3  }
0x1e8: {  	[tilespmem:s16], [sflag:$0x3] =	stream.indirect_vreg.gather [hbm4b:s7+s11], $0x80, v4, vm0, $0xb8;
	[tilespmem:$0x18800] =	vst v63  }
0x1e9: {  	s17 =	simm.s32 $0x12000  }
0x1ea: {  	[tilespmem:s17], [sflag:$0x3] =	stream.indirect_vreg.gather [hbm4b:s9+s11], $0x80, v4, vm0, $0xb8;
	[tilespmem:$0x18800] =	vst v63  }
0x1eb: {  	s18 =	simm.s32 $0x12800  }
0x1ec: {  	[tilespmem:s18], [sflag:$0x3] =	stream.indirect_vreg.gather [hbm4b:s1+s11], $0x80, v3, vm0, $0xb8;
	[tilespmem:$0x18800] =	vst v63  }
0x1ed: {  	s19 =	simm.s32 $0x13000  }
0x1ee: {  	[tilespmem:s19], [sflag:$0x3] =	stream.indirect_vreg.gather [hbm4b:s6+s11], $0x80, v3, vm0, $0xb8;
	[tilespmem:$0x18800] =	vst v63  }
0x1ef: {  	s20 =	simm.s32 $0x13800  }
0x1f0: {  	[tilespmem:s20], [sflag:$0x3] =	stream.indirect_vreg.gather [hbm4b:s7+s11], $0x80, v3, vm0, $0xb8;
	[tilespmem:$0x18800] =	vst v63  }
0x1f1: {  	s21 =	simm.s32 $0x14000  }
0x1f2: {  	[tilespmem:s21], [sflag:$0x3] =	stream.indirect_vreg.gather [hbm4b:s9+s11], $0x80, v3, vm0, $0xb8;
	[tilespmem:$0x18800] =	vst v63  }
0x1f3: {  	v3 =	vld [tilespmem:$0x290];
	_ =	sdelay $0x4  }
0x1f4: {  	v63 =	vshll.u32 v3, $0x3  }
0x1f5: {  	v3 =	vand.u32 $0x7, v3;
	v4 =	vand.u32 $0xFFFFFFC0, v63  }
0x1f6: {  	v3 =	vor.u32 v3, v4  }
0x1f7: {  	v4 =	vperm.xlane v3, v0;
	_ =	sdelay $0x1  }
0x1f8: {  	v4 =	vadd.s32 v1, v4;
	_ =	sdelay $0x3  }
0x1f9: {  	s22 =	simm.s32 $0x14800  }
0x1fa: {  	[tilespmem:s22], [sflag:$0x3] =	stream.indirect_vreg.gather [hbm4b:s1+s11], $0x80, v4, vm0, $0xb8;
	[tilespmem:$0x18800] =	vst v63  }
0x1fb: {  	s23 =	simm.s32 $0x15000;
	v3 =	vperm.xlane v3, v2  }
0x1fc: {  	[tilespmem:s23], [sflag:$0x3] =	stream.indirect_vreg.gather [hbm4b:s6+s11], $0x80, v4, vm0, $0xb8;
	[tilespmem:$0x18800] =	vst v63  }
0x1fd: {  	s24 =	simm.s32 $0x15800;
	v3 =	vadd.s32 v1, v3  }
0x1fe: {  	[tilespmem:s24], [sflag:$0x3] =	stream.indirect_vreg.gather [hbm4b:s7+s11], $0x80, v4, vm0, $0xb8;
	[tilespmem:$0x18800] =	vst v63  }
0x1ff: {  	s25 =	simm.s32 $0x16000  }
0x200: {  	[tilespmem:s25], [sflag:$0x3] =	stream.indirect_vreg.gather [hbm4b:s9+s11], $0x80, v4, vm0, $0xb8;
	[tilespmem:$0x18800] =	vst v63  }
0x201: {  	s26 =	simm.s32 $0x16800  }
0x202: {  	[tilespmem:s26], [sflag:$0x3] =	stream.indirect_vreg.gather [hbm4b:s1+s11], $0x80, v3, vm0, $0xb8;
	[tilespmem:$0x18800] =	vst v63  }
0x203: {  	s28 =	simm.s32 $0x17000  }
0x204: {  	[tilespmem:s28], [sflag:$0x3] =	stream.indirect_vreg.gather [hbm4b:s6+s11], $0x80, v3, vm0, $0xb8;
	[tilespmem:$0x18800] =	vst v63  }
0x205: {  	s29 =	simm.s32 $0x17800  }
0x206: {  	[tilespmem:s29], [sflag:$0x3] =	stream.indirect_vreg.gather [hbm4b:s7+s11], $0x80, v3, vm0, $0xb8;
	[tilespmem:$0x18800] =	vst v63  }
0x207: {  	s30 =	simm.s32 $0x18000;
	s31 =	simm.s32 $0x2  }
0x208: {  	[tilespmem:s30], [sflag:$0x3] =	stream.indirect_vreg.gather [hbm4b:s9+s11], $0x80, v3, vm0, $0xb8;
	[tilespmem:$0x18800] =	vst v63  }
0x209: {  	_ =	swait.ge [sflag:s31], $0x8000  }
0x20a: {  	[sflag:s31] =	ssyncset.done $0x0  }
0x20b: {  	s12 =	simm.s32 $0x0;
	[sflag:s31] =	ssyncadd.s32 $0xFFFF8000  }
.LBB2_18:
0x20c: {  	s0 =	sshll.u32 s12, $0x4  }
0x20d: {  	s2 =	sshll.u32 s12, $0x5;
	s4 =	sshll.u32 s12, $0x9;
	s0 =	sand.u32 $0x70, s0  }
0x20e: {  	s5 =	sshll.u32 s12, $0x7;
	s23 =	sand.u32 $0x6000, s11;
	s24 =	sand.u32 $0x200, s11;
	v3 =	vmov s0  }
0x20f: {  	s2 =	sand.u32 $0x3FFFFF00, s2;
	s22 =	sand.u32 $0xFFFFF000, s4;
	s14 =	sand.u32 $0xC00, s5  }
0x210: {  	s4 =	sor.u32 $0x8800, s23;
	s2 =	sor.u32 s0, s2;
	s15 =	sshra.s32 s22, $0x2  }
0x211: {  	s25 =	sor.u32 $0x180, s24;
	v4 =	vld [tilespmem:s2+$0x400];
	s8 =	sadd.s32 s15, s4;
	s4 =	sadd.s32 s14, s4  }
0x212: {  	v5 =	vld [tilespmem:s2+$0x480];
	s4 =	sadd.s32 $0x1000, s4;
	s10 =	sadd.s32 s25, s8  }
0x213: {  	s5 =	sadd.s32 s25, s4;
	v6 =	vld.idx.msk [tilespmem:v3+s10+$0x0 ss:$0x1], $0xffff  }
0x214: {  	s17 =	sor.u32 $0x100, s24;
	s2 =	sadd.s32 s24, s4;
	v7 =	vld.idx.msk [tilespmem:v3+s5+$0x0 ss:$0x1], $0xffff  }
0x215: {  	s13 =	sadd.s32 s17, s4;
	v8 =	vld.idx.msk [tilespmem:v3+s2+$0x0 ss:$0x1], $0xffff  }
0x216: {  	s26 =	simm.s32 $0x1000;
	s16 =	sor.u32 $0x80, s24;
	s0 =	sadd.s32 s24, s8;
	v10 =	vld.idx.msk [tilespmem:v3+s13+$0x0 ss:$0x1], $0xffff  }
0x217: {  	s18 =	simm.s32 $0x200;
	s28 =	sadd.s32 s16, s4;
	s4 =	sand.u32 $0x6000, s26;
	v11 =	vld.idx.msk [tilespmem:v3+s0+$0x0 ss:$0x1], $0xffff  }
0x218: {  	s18 =	sand.u32 $0x200, s18;
	s4 =	sor.u32 $0x8800, s4;
	v9 =	vld.idx.msk [tilespmem:v3+s28+$0x0 ss:$0x1], $0xffff;
	v12 =	vmul.f32 v6, v4  }
0x219: {  	s16 =	sadd.s32 s16, s8;
	s19 =	sadd.s32 s15, s4;
	s4 =	sadd.s32 s14, s4;
	v13 =	vmul.f32 v7, v5;
	v6 =	vmul.f32 v6, v5  }
0x21a: {  	s20 =	sor.u32 $0x80, s18;
	s22 =	sadd.s32 s17, s8;
	v14 =	vld.idx.msk [tilespmem:v3+s16+$0x0 ss:$0x1], $0xffff;
	s4 =	sadd.s32 $0x1000, s4;
	v7 =	vmul.f32 v7, v4;
	v16 =	vmul.f32 v8, v5  }
0x21b: {  	s30 =	sor.u32 $0x180, s18;
	v15 =	vld.idx.msk [tilespmem:v3+s22+$0x0 ss:$0x1], $0xffff;
	s21 =	sadd.s32 s20, s4;
	v17 =	vmul.f32 v8, v4;
	v19 =	vmul.f32 v10, v5  }
0x21c: {  	s26 =	sadd.s32 s30, s19;
	v20 =	vmul.f32 v10, v4;
	v10 =	vld.idx.msk [tilespmem:v3+s21+$0x0 ss:$0x1], $0xffff;
	v8 =	vsub.f32 v12, v13;
	v13 =	vmul.f32 v11, v4  }
0x21d: {  	s25 =	sadd.s32 s30, s4;
	v18 =	vmul.f32 v9, v4;
	v21 =	vmul.f32 v11, v5;
	v7 =	vadd.f32 v7, v6;
	v6 =	vld.idx.msk [tilespmem:v3+s26+$0x0 ss:$0x1], $0xffff  }
0x21e: {  	s31 =	sor.u32 $0x100, s18;
	s17 =	sadd.s32 s18, s4;
	v12 =	vmul.f32 v9, v5;
	[tilespmem:v3+s10+$0x0 ss:$0x1] =	vst.idx.msk $0xffff, v8;
	v8 =	vld.idx.msk [tilespmem:v3+s25+$0x0 ss:$0x1], $0xffff;
	v16 =	vsub.f32 v13, v16  }
0x21f: {  	s8 =	sadd.s32 s31, s4;
	v9 =	vld.idx.msk [tilespmem:v3+s17+$0x0 ss:$0x1], $0xffff;
	[tilespmem:v3+s5+$0x0 ss:$0x1] =	vst.idx.msk $0xffff, v7;
	v7 =	vmul.f32 v14, v4;
	v14 =	vmul.f32 v14, v5  }
0x220: {  	s24 =	sadd.s32 s18, s19;
	v22 =	vmul.f32 v15, v4;
	v23 =	vmul.f32 v15, v5;
	v11 =	vld.idx.msk [tilespmem:v3+s8+$0x0 ss:$0x1], $0xffff;
	v17 =	vadd.f32 v17, v21  }
0x221: {  	s29 =	simm.s32 $0x4;
	s18 =	sadd.s32 s20, s19;
	v13 =	vld.idx.msk [tilespmem:v3+s24+$0x0 ss:$0x1], $0xffff;
	[tilespmem:v3+s0+$0x0 ss:$0x1] =	vst.idx.msk $0xffff, v16;
	v15 =	vsub.f32 v7, v12;
	v16 =	vadd.f32 v18, v14  }
0x222: {  	s23 =	sadd.s32 s31, s19;
	s20 =	simm.s32 $0x400;
	s10 =	simm.s32 $0x2000;
	v12 =	vsub.f32 v22, v19;
	v14 =	vld.idx.msk [tilespmem:v3+s18+$0x0 ss:$0x1], $0xffff;
	[tilespmem:v3+s2+$0x0 ss:$0x1] =	vst.idx.msk $0xffff, v17;
	v7 =	vadd.f32 v20, v23  }
.LBB2_19:
0x223: {  	s0 =	sand.u32 $0x6000, s10;
	s2 =	sand.u32 $0x200, s20;
	v17 =	vld.idx.msk [tilespmem:v3+s23+$0x0 ss:$0x1], $0xffff;
	v18 =	vmul.f32 v6, v4;
	v19 =	vmul.f32 v8, v5;
	[tilespmem:v3+s16+$0x0 ss:$0x1] =	vst.idx.msk $0xffff, v15;
	s16 =	smov.u32 s18  }
0x224: {  	s29 =	sadd.s32 $0x4, s29;
	v6 =	vmul.f32 v6, v5;
	v8 =	vmul.f32 v8, v4;
	s0 =	sor.u32 $0x8800, s0;
	s4 =	sor.u32 $0x180, s2;
	[tilespmem:v3+s28+$0x0 ss:$0x1] =	vst.idx.msk $0xffff, v16  }
0x225: {  	v15 =	vmul.f32 v9, v5;
	p0 =	slt.u32 s29, $0x1C;
	v16 =	vmul.f32 v9, v4;
	s5 =	sadd.s32 s15, s0;
	s0 =	sadd.s32 s14, s0;
	v9 =	vsub.f32 v18, v19  }
0x226: {  	s18 =	sor.u32 $0x80, s2;
	v18 =	vmul.f32 v10, v5;
	v19 =	vmul.f32 v10, v4;
	v10 =	vadd.f32 v8, v6;
	s0 =	sadd.s32 $0x1000, s0;
	s19 =	sadd.s32 s4, s5  }
0x227: {  	s28 =	sor.u32 $0x100, s2;
	v20 =	vmul.f32 v11, v5;
	v21 =	vmul.f32 v11, v4;
	s30 =	sadd.s32 s2, s0;
	v6 =	vld.idx.msk [tilespmem:v3+s19+$0x0 ss:$0x1], $0xffff;
	s4 =	sadd.s32 s4, s0;
	[tilespmem:v3+s26+$0x0 ss:$0x1] =	vst.idx.msk $0xffff, v9  }
0x228: {  	v11 =	vmul.f32 v13, v4;
	v13 =	vmul.f32 v13, v5;
	s2 =	sadd.s32 s2, s5;
	s31 =	sadd.s32 s18, s0;
	s0 =	sadd.s32 s28, s0;
	v8 =	vld.idx.msk [tilespmem:v3+s4+$0x0 ss:$0x1], $0xffff;
	[tilespmem:v3+s25+$0x0 ss:$0x1] =	vst.idx.msk $0xffff, v10  }
.Ltmp8:
0x229: {  	s18 =	sadd.s32 s18, s5;
	s5 =	sadd.s32 s28, s5;
	v22 =	vmul.f32 v14, v4;
	v14 =	vmul.f32 v14, v5;
	v9 =	vld.idx.msk [tilespmem:v3+s30+$0x0 ss:$0x1], $0xffff;
	[tilespmem:v3+s22+$0x0 ss:$0x1] =	vst.idx.msk $0xffff, v12;
	(pc) =	sbr.rel @p0 .LBB2_19-.Ltmp8, $4  }
0x22a: {  	s26 =	smov.u32 s19;
	s28 =	smov.u32 s21;
	v23 =	vmul.f32 v17, v4;
	v17 =	vmul.f32 v17, v5;
	s25 =	smov.u32 s4;
	v12 =	vsub.f32 v11, v15;
	v10 =	vld.idx.msk [tilespmem:v3+s31+$0x0 ss:$0x1], $0xffff  }
0x22b: {  	v24 =	vadd.f32 v16, v13;
	s21 =	smov.u32 s31;
	v15 =	vsub.f32 v22, v18;
	v11 =	vld.idx.msk [tilespmem:v3+s0+$0x0 ss:$0x1], $0xffff;
	[tilespmem:v3+s13+$0x0 ss:$0x1] =	vst.idx.msk $0xffff, v7;
	s13 =	smov.u32 s8;
	s8 =	smov.u32 s0  }
0x22c: {  	v16 =	vadd.f32 v19, v14;
	s22 =	smov.u32 s23;
	s23 =	smov.u32 s5;
	v13 =	vld.idx.msk [tilespmem:v3+s2+$0x0 ss:$0x1], $0xffff;
	[tilespmem:v3+s24+$0x0 ss:$0x1] =	vst.idx.msk $0xffff, v12;
	v12 =	vsub.f32 v23, v20;
	s24 =	smov.u32 s2  }
0x22d: {  	s20 =	sadd.s32 $0x200, s20;
	s10 =	sadd.s32 $0x1000, s10;
	v7 =	vadd.f32 v21, v17;
	v14 =	vld.idx.msk [tilespmem:v3+s18+$0x0 ss:$0x1], $0xffff;
	[tilespmem:v3+s17+$0x0 ss:$0x1] =	vst.idx.msk $0xffff, v24;
	s17 =	smov.u32 s30  }
0x22e: {  	_ =	sdelay $0x3  }
0x22f: {  	v17 =	vmul.f32 v6, v4;
	v18 =	vmul.f32 v8, v5;
	[tilespmem:v3+s16+$0x0 ss:$0x1] =	vst.idx.msk $0xffff, v15  }
0x230: {  	v46 =	vmul.f32 v6, v5;
	v47 =	vmul.f32 v8, v4;
	[tilespmem:v3+s22+$0x0 ss:$0x1] =	vst.idx.msk $0xffff, v12  }
0x231: {  	v48 =	vmul.f32 v9, v5;
	v49 =	vmul.f32 v9, v4;
	[tilespmem:v3+s28+$0x0 ss:$0x1] =	vst.idx.msk $0xffff, v16  }
0x232: {  	v51 =	vld.idx.msk [tilespmem:v3+s23+$0x0 ss:$0x1], $0xffff;
	v52 =	vmul.f32 v10, v5;
	v53 =	vmul.f32 v10, v4;
	[tilespmem:v3+s13+$0x0 ss:$0x1] =	vst.idx.msk $0xffff, v7  }
0x233: {  	v50 =	vsub.f32 v17, v18;
	v54 =	vmul.f32 v11, v5;
	v55 =	vmul.f32 v13, v4  }
0x234: {  	v6 =	vadd.f32 v47, v46;
	v56 =	vmul.f32 v11, v4;
	v57 =	vmul.f32 v13, v5  }
0x235: {  	[tilespmem:v3+s26+$0x0 ss:$0x1] =	vst.idx.msk $0xffff, v50;
	v58 =	vmul.f32 v14, v4;
	v59 =	vsub.f32 v55, v48  }
0x236: {  	s12 =	sadd.s32 $0x1, s12;
	v60 =	vmul.f32 v14, v5;
	[tilespmem:v3+s25+$0x0 ss:$0x1] =	vst.idx.msk $0xffff, v6;
	v9 =	vadd.f32 v49, v57  }
0x237: {  	p0 =	sne.s32 s12, $0x20;
	v61 =	vmul.f32 v51, v4;
	v6 =	vsub.f32 v58, v52;
	[tilespmem:v3+s24+$0x0 ss:$0x1] =	vst.idx.msk $0xffff, v59  }
.Ltmp9:
0x238: {  	v62 =	vmul.f32 v51, v5;
	v63 =	vadd.f32 v53, v60;
	[tilespmem:v3+s17+$0x0 ss:$0x1] =	vst.idx.msk $0xffff, v9;
	(pc) =	sbr.rel @p0 .LBB2_18-.Ltmp9, $4  }
0x239: {  	v4 =	vsub.f32 v61, v54;
	[tilespmem:v3+s18+$0x0 ss:$0x1] =	vst.idx.msk $0xffff, v6  }
0x23a: {  	v5 =	vadd.f32 v56, v62;
	[tilespmem:v3+s21+$0x0 ss:$0x1] =	vst.idx.msk $0xffff, v63  }
0x23b: {  	[tilespmem:v3+s23+$0x0 ss:$0x1] =	vst.idx.msk $0xffff, v4  }
0x23c: {  	[tilespmem:v3+s8+$0x0 ss:$0x1] =	vst.idx.msk $0xffff, v5  }
0x23d: {  	s11 =	simm.s32 $0x0  }
0x23e: {  	s0 =	rddreg [dreg:$0xa];
	s2 =	simm.s32 $0x8800;
	s13 =	simm.s32 $0x4  }
0x23f: {  	[hbm4b:s0+s11] =	stream.linear.scatter [tilespmem:s2], [sflag:$0x5], $0x8000, $0x38;
	[tilespmem:$0x18800] =	vst v63  }
0x240: {  	_ =	swait.ge [sflag:s13], $0x8000  }
0x241: {  	[sflag:s13] =	ssyncset.done $0x0  }
0x242: {  	[sflag:s13] =	ssyncadd.s32 $0xFFFF8000  }
0x243: {  	v3 =	vld [tilespmem:$0x300];
	_ =	sdelay $0x4  }
0x244: {  	v4 =	vshll.u32 v3, $0x3  }
0x245: {  	v3 =	vand.u32 $0x7, v3;
	v4 =	vand.u32 $0xFFFFFFC0, v4  }
0x246: {  	v3 =	vor.u32 v3, v4  }
0x247: {  	v4 =	vperm.xlane v3, v0;
	_ =	sdelay $0x1  }
0x248: {  	v4 =	vadd.s32 v1, v4;
	_ =	sdelay $0x3  }
0x249: {  	s14 =	simm.s32 $0x800  }
0x24a: {  	[tilespmem:s14], [sflag:$0x1] =	stream.indirect_vreg.gather [hbm4b:s1+s11], $0x80, v4, vm0, $0xb8;
	[tilespmem:$0x18800] =	vst v63  }
0x24b: {  	s15 =	simm.s32 $0x1000;
	v3 =	vperm.xlane v3, v2  }
0x24c: {  	[tilespmem:s15], [sflag:$0x1] =	stream.indirect_vreg.gather [hbm4b:s6+s11], $0x80, v4, vm0, $0xb8;
	[tilespmem:$0x18800] =	vst v63  }
0x24d: {  	s16 =	simm.s32 $0x1800;
	v3 =	vadd.s32 v1, v3  }
0x24e: {  	[tilespmem:s16], [sflag:$0x1] =	stream.indirect_vreg.gather [hbm4b:s7+s11], $0x80, v4, vm0, $0xb8;
	[tilespmem:$0x18800] =	vst v63  }
0x24f: {  	s17 =	simm.s32 $0x2000  }
0x250: {  	[tilespmem:s17], [sflag:$0x1] =	stream.indirect_vreg.gather [hbm4b:s9+s11], $0x80, v4, vm0, $0xb8;
	[tilespmem:$0x18800] =	vst v63  }
0x251: {  	s18 =	simm.s32 $0x2800  }
0x252: {  	[tilespmem:s18], [sflag:$0x1] =	stream.indirect_vreg.gather [hbm4b:s1+s11], $0x80, v3, vm0, $0xb8;
	[tilespmem:$0x18800] =	vst v63  }
0x253: {  	s19 =	simm.s32 $0x3000  }
0x254: {  	[tilespmem:s19], [sflag:$0x1] =	stream.indirect_vreg.gather [hbm4b:s6+s11], $0x80, v3, vm0, $0xb8;
	[tilespmem:$0x18800] =	vst v63  }
0x255: {  	s20 =	simm.s32 $0x3800  }
0x256: {  	[tilespmem:s20], [sflag:$0x1] =	stream.indirect_vreg.gather [hbm4b:s7+s11], $0x80, v3, vm0, $0xb8;
	[tilespmem:$0x18800] =	vst v63  }
0x257: {  	s21 =	simm.s32 $0x4000  }
0x258: {  	[tilespmem:s21], [sflag:$0x1] =	stream.indirect_vreg.gather [hbm4b:s9+s11], $0x80, v3, vm0, $0xb8;
	[tilespmem:$0x18800] =	vst v63  }
0x259: {  	v3 =	vld [tilespmem:$0x310];
	_ =	sdelay $0x4  }
0x25a: {  	v63 =	vshll.u32 v3, $0x3  }
0x25b: {  	v3 =	vand.u32 $0x7, v3;
	v4 =	vand.u32 $0xFFFFFFC0, v63  }
0x25c: {  	v3 =	vor.u32 v3, v4  }
0x25d: {  	v4 =	vperm.xlane v3, v0;
	_ =	sdelay $0x1  }
0x25e: {  	v4 =	vadd.s32 v1, v4;
	_ =	sdelay $0x3  }
0x25f: {  	s22 =	simm.s32 $0x4800  }
0x260: {  	[tilespmem:s22], [sflag:$0x1] =	stream.indirect_vreg.gather [hbm4b:s1+s11], $0x80, v4, vm0, $0xb8;
	[tilespmem:$0x18800] =	vst v63  }
0x261: {  	s23 =	simm.s32 $0x5000;
	v3 =	vperm.xlane v3, v2  }
0x262: {  	[tilespmem:s23], [sflag:$0x1] =	stream.indirect_vreg.gather [hbm4b:s6+s11], $0x80, v4, vm0, $0xb8;
	[tilespmem:$0x18800] =	vst v63  }
0x263: {  	s24 =	simm.s32 $0x5800;
	v3 =	vadd.s32 v1, v3  }
0x264: {  	[tilespmem:s24], [sflag:$0x1] =	stream.indirect_vreg.gather [hbm4b:s7+s11], $0x80, v4, vm0, $0xb8;
	[tilespmem:$0x18800] =	vst v63  }
0x265: {  	s25 =	simm.s32 $0x6000  }
0x266: {  	[tilespmem:s25], [sflag:$0x1] =	stream.indirect_vreg.gather [hbm4b:s9+s11], $0x80, v4, vm0, $0xb8;
	[tilespmem:$0x18800] =	vst v63  }
0x267: {  	s26 =	simm.s32 $0x6800  }
0x268: {  	[tilespmem:s26], [sflag:$0x1] =	stream.indirect_vreg.gather [hbm4b:s1+s11], $0x80, v3, vm0, $0xb8;
	[tilespmem:$0x18800] =	vst v63  }
0x269: {  	s28 =	simm.s32 $0x7000  }
0x26a: {  	[tilespmem:s28], [sflag:$0x1] =	stream.indirect_vreg.gather [hbm4b:s6+s11], $0x80, v3, vm0, $0xb8;
	[tilespmem:$0x18800] =	vst v63  }
0x26b: {  	s29 =	simm.s32 $0x7800  }
0x26c: {  	[tilespmem:s29], [sflag:$0x1] =	stream.indirect_vreg.gather [hbm4b:s7+s11], $0x80, v3, vm0, $0xb8;
	[tilespmem:$0x18800] =	vst v63  }
0x26d: {  	s30 =	simm.s32 $0x8000;
	s31 =	simm.s32 $0x3  }
0x26e: {  	[tilespmem:s30], [sflag:$0x1] =	stream.indirect_vreg.gather [hbm4b:s9+s11], $0x80, v3, vm0, $0xb8;
	[tilespmem:$0x18800] =	vst v63  }
0x26f: {  	_ =	swait.ge [sflag:s31], $0x8000  }
0x270: {  	[sflag:s31] =	ssyncset.done $0x0  }
0x271: {  	s12 =	simm.s32 $0x0;
	[sflag:s31] =	ssyncadd.s32 $0xFFFF8000  }
.LBB2_22:
0x272: {  	s0 =	sshll.u32 s12, $0x4  }
0x273: {  	s2 =	sshll.u32 s12, $0x5;
	s4 =	sshll.u32 s12, $0x9;
	s0 =	sand.u32 $0x70, s0  }
0x274: {  	s5 =	sshll.u32 s12, $0x7;
	s23 =	sand.u32 $0x6000, s11;
	s24 =	sand.u32 $0x200, s11;
	v3 =	vmov s0  }
0x275: {  	s2 =	sand.u32 $0x3FFFFF00, s2;
	s22 =	sand.u32 $0xFFFFF000, s4;
	s14 =	sand.u32 $0xC00, s5  }
0x276: {  	s4 =	sor.u32 $0x10800, s23;
	s2 =	sor.u32 s0, s2;
	s15 =	sshra.s32 s22, $0x2  }
0x277: {  	s25 =	sor.u32 $0x180, s24;
	v4 =	vld [tilespmem:s2+$0x400];
	s8 =	sadd.s32 s15, s4;
	s4 =	sadd.s32 s14, s4  }
0x278: {  	v5 =	vld [tilespmem:s2+$0x480];
	s4 =	sadd.s32 $0x1000, s4;
	s10 =	sadd.s32 s25, s8  }
0x279: {  	s5 =	sadd.s32 s25, s4;
	v6 =	vld.idx.msk [tilespmem:v3+s10+$0x0 ss:$0x1], $0xffff  }
0x27a: {  	s17 =	sor.u32 $0x100, s24;
	s2 =	sadd.s32 s24, s4;
	v7 =	vld.idx.msk [tilespmem:v3+s5+$0x0 ss:$0x1], $0xffff  }
0x27b: {  	s13 =	sadd.s32 s17, s4;
	v8 =	vld.idx.msk [tilespmem:v3+s2+$0x0 ss:$0x1], $0xffff  }
0x27c: {  	s26 =	simm.s32 $0x1000;
	s16 =	sor.u32 $0x80, s24;
	s0 =	sadd.s32 s24, s8;
	v10 =	vld.idx.msk [tilespmem:v3+s13+$0x0 ss:$0x1], $0xffff  }
0x27d: {  	s18 =	simm.s32 $0x200;
	s28 =	sadd.s32 s16, s4;
	s4 =	sand.u32 $0x6000, s26;
	v11 =	vld.idx.msk [tilespmem:v3+s0+$0x0 ss:$0x1], $0xffff  }
0x27e: {  	s18 =	sand.u32 $0x200, s18;
	s4 =	sor.u32 $0x10800, s4;
	v9 =	vld.idx.msk [tilespmem:v3+s28+$0x0 ss:$0x1], $0xffff;
	v12 =	vmul.f32 v6, v4  }
0x27f: {  	s16 =	sadd.s32 s16, s8;
	s19 =	sadd.s32 s15, s4;
	s4 =	sadd.s32 s14, s4;
	v13 =	vmul.f32 v7, v5;
	v6 =	vmul.f32 v6, v5  }
0x280: {  	s20 =	sor.u32 $0x80, s18;
	s22 =	sadd.s32 s17, s8;
	v14 =	vld.idx.msk [tilespmem:v3+s16+$0x0 ss:$0x1], $0xffff;
	s4 =	sadd.s32 $0x1000, s4;
	v7 =	vmul.f32 v7, v4;
	v16 =	vmul.f32 v8, v5  }
0x281: {  	s30 =	sor.u32 $0x180, s18;
	v15 =	vld.idx.msk [tilespmem:v3+s22+$0x0 ss:$0x1], $0xffff;
	s21 =	sadd.s32 s20, s4;
	v17 =	vmul.f32 v8, v4;
	v19 =	vmul.f32 v10, v5  }
0x282: {  	s26 =	sadd.s32 s30, s19;
	v20 =	vmul.f32 v10, v4;
	v10 =	vld.idx.msk [tilespmem:v3+s21+$0x0 ss:$0x1], $0xffff;
	v8 =	vsub.f32 v12, v13;
	v13 =	vmul.f32 v11, v4  }
0x283: {  	s25 =	sadd.s32 s30, s4;
	v18 =	vmul.f32 v9, v4;
	v21 =	vmul.f32 v11, v5;
	v7 =	vadd.f32 v7, v6;
	v6 =	vld.idx.msk [tilespmem:v3+s26+$0x0 ss:$0x1], $0xffff  }
0x284: {  	s31 =	sor.u32 $0x100, s18;
	s17 =	sadd.s32 s18, s4;
	v12 =	vmul.f32 v9, v5;
	[tilespmem:v3+s10+$0x0 ss:$0x1] =	vst.idx.msk $0xffff, v8;
	v8 =	vld.idx.msk [tilespmem:v3+s25+$0x0 ss:$0x1], $0xffff;
	v16 =	vsub.f32 v13, v16  }
0x285: {  	s8 =	sadd.s32 s31, s4;
	v9 =	vld.idx.msk [tilespmem:v3+s17+$0x0 ss:$0x1], $0xffff;
	[tilespmem:v3+s5+$0x0 ss:$0x1] =	vst.idx.msk $0xffff, v7;
	v7 =	vmul.f32 v14, v4;
	v14 =	vmul.f32 v14, v5  }
0x286: {  	s24 =	sadd.s32 s18, s19;
	v22 =	vmul.f32 v15, v4;
	v23 =	vmul.f32 v15, v5;
	v11 =	vld.idx.msk [tilespmem:v3+s8+$0x0 ss:$0x1], $0xffff;
	v17 =	vadd.f32 v17, v21  }
0x287: {  	s29 =	simm.s32 $0x4;
	s18 =	sadd.s32 s20, s19;
	v13 =	vld.idx.msk [tilespmem:v3+s24+$0x0 ss:$0x1], $0xffff;
	[tilespmem:v3+s0+$0x0 ss:$0x1] =	vst.idx.msk $0xffff, v16;
	v15 =	vsub.f32 v7, v12;
	v16 =	vadd.f32 v18, v14  }
0x288: {  	s23 =	sadd.s32 s31, s19;
	s20 =	simm.s32 $0x400;
	s10 =	simm.s32 $0x2000;
	v12 =	vsub.f32 v22, v19;
	v14 =	vld.idx.msk [tilespmem:v3+s18+$0x0 ss:$0x1], $0xffff;
	[tilespmem:v3+s2+$0x0 ss:$0x1] =	vst.idx.msk $0xffff, v17;
	v7 =	vadd.f32 v20, v23  }
.LBB2_23:
0x289: {  	s0 =	sand.u32 $0x6000, s10;
	s2 =	sand.u32 $0x200, s20;
	v17 =	vld.idx.msk [tilespmem:v3+s23+$0x0 ss:$0x1], $0xffff;
	v18 =	vmul.f32 v6, v4;
	v19 =	vmul.f32 v8, v5;
	[tilespmem:v3+s16+$0x0 ss:$0x1] =	vst.idx.msk $0xffff, v15;
	s16 =	smov.u32 s18  }
0x28a: {  	s29 =	sadd.s32 $0x4, s29;
	v6 =	vmul.f32 v6, v5;
	v8 =	vmul.f32 v8, v4;
	s0 =	sor.u32 $0x10800, s0;
	s4 =	sor.u32 $0x180, s2;
	[tilespmem:v3+s28+$0x0 ss:$0x1] =	vst.idx.msk $0xffff, v16  }
0x28b: {  	v15 =	vmul.f32 v9, v5;
	p0 =	slt.u32 s29, $0x1C;
	v16 =	vmul.f32 v9, v4;
	s5 =	sadd.s32 s15, s0;
	s0 =	sadd.s32 s14, s0;
	v9 =	vsub.f32 v18, v19  }
0x28c: {  	s18 =	sor.u32 $0x80, s2;
	v18 =	vmul.f32 v10, v5;
	v19 =	vmul.f32 v10, v4;
	v10 =	vadd.f32 v8, v6;
	s0 =	sadd.s32 $0x1000, s0;
	s19 =	sadd.s32 s4, s5  }
0x28d: {  	s28 =	sor.u32 $0x100, s2;
	v20 =	vmul.f32 v11, v5;
	v21 =	vmul.f32 v11, v4;
	s30 =	sadd.s32 s2, s0;
	v6 =	vld.idx.msk [tilespmem:v3+s19+$0x0 ss:$0x1], $0xffff;
	s4 =	sadd.s32 s4, s0;
	[tilespmem:v3+s26+$0x0 ss:$0x1] =	vst.idx.msk $0xffff, v9  }
0x28e: {  	v11 =	vmul.f32 v13, v4;
	v13 =	vmul.f32 v13, v5;
	s2 =	sadd.s32 s2, s5;
	s31 =	sadd.s32 s18, s0;
	s0 =	sadd.s32 s28, s0;
	v8 =	vld.idx.msk [tilespmem:v3+s4+$0x0 ss:$0x1], $0xffff;
	[tilespmem:v3+s25+$0x0 ss:$0x1] =	vst.idx.msk $0xffff, v10  }
.Ltmp10:
0x28f: {  	s18 =	sadd.s32 s18, s5;
	s5 =	sadd.s32 s28, s5;
	v22 =	vmul.f32 v14, v4;
	v14 =	vmul.f32 v14, v5;
	v9 =	vld.idx.msk [tilespmem:v3+s30+$0x0 ss:$0x1], $0xffff;
	[tilespmem:v3+s22+$0x0 ss:$0x1] =	vst.idx.msk $0xffff, v12;
	(pc) =	sbr.rel @p0 .LBB2_23-.Ltmp10, $4  }
0x290: {  	s26 =	smov.u32 s19;
	s28 =	smov.u32 s21;
	v23 =	vmul.f32 v17, v4;
	v17 =	vmul.f32 v17, v5;
	s25 =	smov.u32 s4;
	v12 =	vsub.f32 v11, v15;
	v10 =	vld.idx.msk [tilespmem:v3+s31+$0x0 ss:$0x1], $0xffff  }
0x291: {  	v24 =	vadd.f32 v16, v13;
	s21 =	smov.u32 s31;
	v15 =	vsub.f32 v22, v18;
	v11 =	vld.idx.msk [tilespmem:v3+s0+$0x0 ss:$0x1], $0xffff;
	[tilespmem:v3+s13+$0x0 ss:$0x1] =	vst.idx.msk $0xffff, v7;
	s13 =	smov.u32 s8;
	s8 =	smov.u32 s0  }
0x292: {  	v16 =	vadd.f32 v19, v14;
	s22 =	smov.u32 s23;
	s23 =	smov.u32 s5;
	v13 =	vld.idx.msk [tilespmem:v3+s2+$0x0 ss:$0x1], $0xffff;
	[tilespmem:v3+s24+$0x0 ss:$0x1] =	vst.idx.msk $0xffff, v12;
	v12 =	vsub.f32 v23, v20;
	s24 =	smov.u32 s2  }
0x293: {  	s20 =	sadd.s32 $0x200, s20;
	s10 =	sadd.s32 $0x1000, s10;
	v7 =	vadd.f32 v21, v17;
	v14 =	vld.idx.msk [tilespmem:v3+s18+$0x0 ss:$0x1], $0xffff;
	[tilespmem:v3+s17+$0x0 ss:$0x1] =	vst.idx.msk $0xffff, v24;
	s17 =	smov.u32 s30  }
0x294: {  	_ =	sdelay $0x3  }
0x295: {  	v17 =	vmul.f32 v6, v4;
	v18 =	vmul.f32 v8, v5;
	[tilespmem:v3+s16+$0x0 ss:$0x1] =	vst.idx.msk $0xffff, v15  }
0x296: {  	v46 =	vmul.f32 v6, v5;
	v47 =	vmul.f32 v8, v4;
	[tilespmem:v3+s22+$0x0 ss:$0x1] =	vst.idx.msk $0xffff, v12  }
0x297: {  	v48 =	vmul.f32 v9, v5;
	v49 =	vmul.f32 v9, v4;
	[tilespmem:v3+s28+$0x0 ss:$0x1] =	vst.idx.msk $0xffff, v16  }
0x298: {  	v51 =	vld.idx.msk [tilespmem:v3+s23+$0x0 ss:$0x1], $0xffff;
	v52 =	vmul.f32 v10, v5;
	v53 =	vmul.f32 v10, v4;
	[tilespmem:v3+s13+$0x0 ss:$0x1] =	vst.idx.msk $0xffff, v7  }
0x299: {  	v50 =	vsub.f32 v17, v18;
	v54 =	vmul.f32 v11, v5;
	v55 =	vmul.f32 v13, v4  }
0x29a: {  	v6 =	vadd.f32 v47, v46;
	v56 =	vmul.f32 v11, v4;
	v57 =	vmul.f32 v13, v5  }
0x29b: {  	[tilespmem:v3+s26+$0x0 ss:$0x1] =	vst.idx.msk $0xffff, v50;
	v58 =	vmul.f32 v14, v4;
	v59 =	vsub.f32 v55, v48  }
0x29c: {  	s12 =	sadd.s32 $0x1, s12;
	v60 =	vmul.f32 v14, v5;
	[tilespmem:v3+s25+$0x0 ss:$0x1] =	vst.idx.msk $0xffff, v6;
	v9 =	vadd.f32 v49, v57  }
0x29d: {  	p0 =	sne.s32 s12, $0x20;
	v61 =	vmul.f32 v51, v4;
	v6 =	vsub.f32 v58, v52;
	[tilespmem:v3+s24+$0x0 ss:$0x1] =	vst.idx.msk $0xffff, v59  }
.Ltmp11:
0x29e: {  	v62 =	vmul.f32 v51, v5;
	v63 =	vadd.f32 v53, v60;
	[tilespmem:v3+s17+$0x0 ss:$0x1] =	vst.idx.msk $0xffff, v9;
	(pc) =	sbr.rel @p0 .LBB2_22-.Ltmp11, $4  }
0x29f: {  	v4 =	vsub.f32 v61, v54;
	[tilespmem:v3+s18+$0x0 ss:$0x1] =	vst.idx.msk $0xffff, v6  }
0x2a0: {  	v5 =	vadd.f32 v56, v62;
	[tilespmem:v3+s21+$0x0 ss:$0x1] =	vst.idx.msk $0xffff, v63  }
0x2a1: {  	[tilespmem:v3+s23+$0x0 ss:$0x1] =	vst.idx.msk $0xffff, v4  }
0x2a2: {  	[tilespmem:v3+s8+$0x0 ss:$0x1] =	vst.idx.msk $0xffff, v5  }
0x2a3: {  	s11 =	simm.s32 $0x0  }
0x2a4: {  	s0 =	rddreg [dreg:$0xb];
	s2 =	simm.s32 $0x10800;
	s13 =	simm.s32 $0x5  }
0x2a5: {  	[hbm4b:s0+s11] =	stream.linear.scatter [tilespmem:s2], [sflag:$0x6], $0x8000, $0x38;
	[tilespmem:$0x18800] =	vst v63  }
0x2a6: {  	_ =	swait.ge [sflag:s13], $0x8000  }
0x2a7: {  	[sflag:s13] =	ssyncset.done $0x0  }
0x2a8: {  	[sflag:s13] =	ssyncadd.s32 $0xFFFF8000  }
0x2a9: {  	v3 =	vld [tilespmem:$0x380];
	_ =	sdelay $0x4  }
0x2aa: {  	v4 =	vshll.u32 v3, $0x3  }
0x2ab: {  	v3 =	vand.u32 $0x7, v3;
	v4 =	vand.u32 $0xFFFFFFC0, v4  }
0x2ac: {  	v3 =	vor.u32 v3, v4  }
0x2ad: {  	v4 =	vperm.xlane v3, v0;
	_ =	sdelay $0x1  }
0x2ae: {  	v4 =	vadd.s32 v1, v4;
	_ =	sdelay $0x3  }
0x2af: {  	s14 =	simm.s32 $0x8800  }
0x2b0: {  	[tilespmem:s14], [sflag:$0x2] =	stream.indirect_vreg.gather [hbm4b:s1+s11], $0x80, v4, vm0, $0xb8;
	[tilespmem:$0x18800] =	vst v63  }
0x2b1: {  	s15 =	simm.s32 $0x9000;
	v3 =	vperm.xlane v3, v2  }
0x2b2: {  	[tilespmem:s15], [sflag:$0x2] =	stream.indirect_vreg.gather [hbm4b:s6+s11], $0x80, v4, vm0, $0xb8;
	[tilespmem:$0x18800] =	vst v63  }
0x2b3: {  	s16 =	simm.s32 $0x9800;
	v3 =	vadd.s32 v1, v3  }
0x2b4: {  	[tilespmem:s16], [sflag:$0x2] =	stream.indirect_vreg.gather [hbm4b:s7+s11], $0x80, v4, vm0, $0xb8;
	[tilespmem:$0x18800] =	vst v63  }
0x2b5: {  	s17 =	simm.s32 $0xA000  }
0x2b6: {  	[tilespmem:s17], [sflag:$0x2] =	stream.indirect_vreg.gather [hbm4b:s9+s11], $0x80, v4, vm0, $0xb8;
	[tilespmem:$0x18800] =	vst v63  }
0x2b7: {  	s18 =	simm.s32 $0xA800  }
0x2b8: {  	[tilespmem:s18], [sflag:$0x2] =	stream.indirect_vreg.gather [hbm4b:s1+s11], $0x80, v3, vm0, $0xb8;
	[tilespmem:$0x18800] =	vst v63  }
0x2b9: {  	s19 =	simm.s32 $0xB000  }
0x2ba: {  	[tilespmem:s19], [sflag:$0x2] =	stream.indirect_vreg.gather [hbm4b:s6+s11], $0x80, v3, vm0, $0xb8;
	[tilespmem:$0x18800] =	vst v63  }
0x2bb: {  	s20 =	simm.s32 $0xB800  }
0x2bc: {  	[tilespmem:s20], [sflag:$0x2] =	stream.indirect_vreg.gather [hbm4b:s7+s11], $0x80, v3, vm0, $0xb8;
	[tilespmem:$0x18800] =	vst v63  }
0x2bd: {  	s21 =	simm.s32 $0xC000  }
0x2be: {  	[tilespmem:s21], [sflag:$0x2] =	stream.indirect_vreg.gather [hbm4b:s9+s11], $0x80, v3, vm0, $0xb8;
	[tilespmem:$0x18800] =	vst v63  }
0x2bf: {  	v3 =	vld [tilespmem:$0x390];
	_ =	sdelay $0x4  }
0x2c0: {  	v63 =	vshll.u32 v3, $0x3  }
0x2c1: {  	v3 =	vand.u32 $0x7, v3;
	v4 =	vand.u32 $0xFFFFFFC0, v63  }
0x2c2: {  	v3 =	vor.u32 v3, v4  }
0x2c3: {  	v4 =	vperm.xlane v3, v0;
	_ =	sdelay $0x1  }
0x2c4: {  	v4 =	vadd.s32 v1, v4;
	_ =	sdelay $0x3  }
0x2c5: {  	s22 =	simm.s32 $0xC800  }
0x2c6: {  	[tilespmem:s22], [sflag:$0x2] =	stream.indirect_vreg.gather [hbm4b:s1+s11], $0x80, v4, vm0, $0xb8;
	[tilespmem:$0x18800] =	vst v63  }
0x2c7: {  	s23 =	simm.s32 $0xD000;
	v3 =	vperm.xlane v3, v2  }
0x2c8: {  	[tilespmem:s23], [sflag:$0x2] =	stream.indirect_vreg.gather [hbm4b:s6+s11], $0x80, v4, vm0, $0xb8;
	[tilespmem:$0x18800] =	vst v63  }
0x2c9: {  	s24 =	simm.s32 $0xD800;
	v3 =	vadd.s32 v1, v3  }
0x2ca: {  	[tilespmem:s24], [sflag:$0x2] =	stream.indirect_vreg.gather [hbm4b:s7+s11], $0x80, v4, vm0, $0xb8;
	[tilespmem:$0x18800] =	vst v63  }
0x2cb: {  	s25 =	simm.s32 $0xE000  }
0x2cc: {  	[tilespmem:s25], [sflag:$0x2] =	stream.indirect_vreg.gather [hbm4b:s9+s11], $0x80, v4, vm0, $0xb8;
	[tilespmem:$0x18800] =	vst v63  }
0x2cd: {  	s26 =	simm.s32 $0xE800  }
0x2ce: {  	[tilespmem:s26], [sflag:$0x2] =	stream.indirect_vreg.gather [hbm4b:s1+s11], $0x80, v3, vm0, $0xb8;
	[tilespmem:$0x18800] =	vst v63  }
0x2cf: {  	s28 =	simm.s32 $0xF000  }
0x2d0: {  	[tilespmem:s28], [sflag:$0x2] =	stream.indirect_vreg.gather [hbm4b:s6+s11], $0x80, v3, vm0, $0xb8;
	[tilespmem:$0x18800] =	vst v63  }
0x2d1: {  	s29 =	simm.s32 $0xF800  }
0x2d2: {  	[tilespmem:s29], [sflag:$0x2] =	stream.indirect_vreg.gather [hbm4b:s7+s11], $0x80, v3, vm0, $0xb8;
	[tilespmem:$0x18800] =	vst v63  }
0x2d3: {  	s30 =	simm.s32 $0x10000;
	s31 =	simm.s32 $0x1  }
0x2d4: {  	[tilespmem:s30], [sflag:$0x2] =	stream.indirect_vreg.gather [hbm4b:s9+s11], $0x80, v3, vm0, $0xb8;
	[tilespmem:$0x18800] =	vst v63  }
0x2d5: {  	_ =	swait.ge [sflag:s31], $0x8000  }
0x2d6: {  	[sflag:s31] =	ssyncset.done $0x0  }
0x2d7: {  	s12 =	simm.s32 $0x0;
	[sflag:s31] =	ssyncadd.s32 $0xFFFF8000  }
.LBB2_26:
0x2d8: {  	s0 =	sshll.u32 s12, $0x4  }
0x2d9: {  	s2 =	sshll.u32 s12, $0x5;
	s4 =	sshll.u32 s12, $0x9;
	s0 =	sand.u32 $0x70, s0  }
0x2da: {  	s5 =	sshll.u32 s12, $0x7;
	s23 =	sand.u32 $0x6000, s11;
	s24 =	sand.u32 $0x200, s11;
	v3 =	vmov s0  }
0x2db: {  	s2 =	sand.u32 $0x3FFFFF00, s2;
	s22 =	sand.u32 $0xFFFFF000, s4;
	s14 =	sand.u32 $0xC00, s5  }
0x2dc: {  	s4 =	sor.u32 $0x800, s23;
	s2 =	sor.u32 s0, s2;
	s15 =	sshra.s32 s22, $0x2  }
0x2dd: {  	s25 =	sor.u32 $0x180, s24;
	v4 =	vld [tilespmem:s2+$0x400];
	s8 =	sadd.s32 s15, s4;
	s4 =	sadd.s32 s14, s4  }
0x2de: {  	v5 =	vld [tilespmem:s2+$0x480];
	s4 =	sadd.s32 $0x1000, s4;
	s10 =	sadd.s32 s25, s8  }
0x2df: {  	s5 =	sadd.s32 s25, s4;
	v6 =	vld.idx.msk [tilespmem:v3+s10+$0x0 ss:$0x1], $0xffff  }
0x2e0: {  	s17 =	sor.u32 $0x100, s24;
	s2 =	sadd.s32 s24, s4;
	v7 =	vld.idx.msk [tilespmem:v3+s5+$0x0 ss:$0x1], $0xffff  }
0x2e1: {  	s13 =	sadd.s32 s17, s4;
	v8 =	vld.idx.msk [tilespmem:v3+s2+$0x0 ss:$0x1], $0xffff  }
0x2e2: {  	s26 =	simm.s32 $0x1000;
	s16 =	sor.u32 $0x80, s24;
	s0 =	sadd.s32 s24, s8;
	v10 =	vld.idx.msk [tilespmem:v3+s13+$0x0 ss:$0x1], $0xffff  }
0x2e3: {  	s18 =	simm.s32 $0x200;
	s28 =	sadd.s32 s16, s4;
	s4 =	sand.u32 $0x6000, s26;
	v11 =	vld.idx.msk [tilespmem:v3+s0+$0x0 ss:$0x1], $0xffff  }
0x2e4: {  	s18 =	sand.u32 $0x200, s18;
	s4 =	sor.u32 $0x800, s4;
	v9 =	vld.idx.msk [tilespmem:v3+s28+$0x0 ss:$0x1], $0xffff;
	v12 =	vmul.f32 v6, v4  }
0x2e5: {  	s16 =	sadd.s32 s16, s8;
	s19 =	sadd.s32 s15, s4;
	s4 =	sadd.s32 s14, s4;
	v13 =	vmul.f32 v7, v5;
	v6 =	vmul.f32 v6, v5  }
0x2e6: {  	s20 =	sor.u32 $0x80, s18;
	s22 =	sadd.s32 s17, s8;
	v14 =	vld.idx.msk [tilespmem:v3+s16+$0x0 ss:$0x1], $0xffff;
	s4 =	sadd.s32 $0x1000, s4;
	v7 =	vmul.f32 v7, v4;
	v16 =	vmul.f32 v8, v5  }
0x2e7: {  	s30 =	sor.u32 $0x180, s18;
	v15 =	vld.idx.msk [tilespmem:v3+s22+$0x0 ss:$0x1], $0xffff;
	s21 =	sadd.s32 s20, s4;
	v17 =	vmul.f32 v8, v4;
	v19 =	vmul.f32 v10, v5  }
0x2e8: {  	s26 =	sadd.s32 s30, s19;
	v20 =	vmul.f32 v10, v4;
	v10 =	vld.idx.msk [tilespmem:v3+s21+$0x0 ss:$0x1], $0xffff;
	v8 =	vsub.f32 v12, v13;
	v13 =	vmul.f32 v11, v4  }
0x2e9: {  	s25 =	sadd.s32 s30, s4;
	v18 =	vmul.f32 v9, v4;
	v21 =	vmul.f32 v11, v5;
	v7 =	vadd.f32 v7, v6;
	v6 =	vld.idx.msk [tilespmem:v3+s26+$0x0 ss:$0x1], $0xffff  }
0x2ea: {  	s31 =	sor.u32 $0x100, s18;
	s17 =	sadd.s32 s18, s4;
	v12 =	vmul.f32 v9, v5;
	[tilespmem:v3+s10+$0x0 ss:$0x1] =	vst.idx.msk $0xffff, v8;
	v8 =	vld.idx.msk [tilespmem:v3+s25+$0x0 ss:$0x1], $0xffff;
	v16 =	vsub.f32 v13, v16  }
0x2eb: {  	s8 =	sadd.s32 s31, s4;
	v9 =	vld.idx.msk [tilespmem:v3+s17+$0x0 ss:$0x1], $0xffff;
	[tilespmem:v3+s5+$0x0 ss:$0x1] =	vst.idx.msk $0xffff, v7;
	v7 =	vmul.f32 v14, v4;
	v14 =	vmul.f32 v14, v5  }
0x2ec: {  	s24 =	sadd.s32 s18, s19;
	v22 =	vmul.f32 v15, v4;
	v23 =	vmul.f32 v15, v5;
	v11 =	vld.idx.msk [tilespmem:v3+s8+$0x0 ss:$0x1], $0xffff;
	v17 =	vadd.f32 v17, v21  }
0x2ed: {  	s29 =	simm.s32 $0x4;
	s18 =	sadd.s32 s20, s19;
	v13 =	vld.idx.msk [tilespmem:v3+s24+$0x0 ss:$0x1], $0xffff;
	[tilespmem:v3+s0+$0x0 ss:$0x1] =	vst.idx.msk $0xffff, v16;
	v15 =	vsub.f32 v7, v12;
	v16 =	vadd.f32 v18, v14  }
0x2ee: {  	s23 =	sadd.s32 s31, s19;
	s20 =	simm.s32 $0x400;
	s10 =	simm.s32 $0x2000;
	v12 =	vsub.f32 v22, v19;
	v14 =	vld.idx.msk [tilespmem:v3+s18+$0x0 ss:$0x1], $0xffff;
	[tilespmem:v3+s2+$0x0 ss:$0x1] =	vst.idx.msk $0xffff, v17;
	v7 =	vadd.f32 v20, v23  }
.LBB2_27:
0x2ef: {  	s0 =	sand.u32 $0x6000, s10;
	s2 =	sand.u32 $0x200, s20;
	v17 =	vld.idx.msk [tilespmem:v3+s23+$0x0 ss:$0x1], $0xffff;
	v18 =	vmul.f32 v6, v4;
	v19 =	vmul.f32 v8, v5;
	[tilespmem:v3+s16+$0x0 ss:$0x1] =	vst.idx.msk $0xffff, v15;
	s16 =	smov.u32 s18  }
0x2f0: {  	s29 =	sadd.s32 $0x4, s29;
	v6 =	vmul.f32 v6, v5;
	v8 =	vmul.f32 v8, v4;
	s0 =	sor.u32 $0x800, s0;
	s4 =	sor.u32 $0x180, s2;
	[tilespmem:v3+s28+$0x0 ss:$0x1] =	vst.idx.msk $0xffff, v16  }
0x2f1: {  	v15 =	vmul.f32 v9, v5;
	p0 =	slt.u32 s29, $0x1C;
	v16 =	vmul.f32 v9, v4;
	s5 =	sadd.s32 s15, s0;
	s0 =	sadd.s32 s14, s0;
	v9 =	vsub.f32 v18, v19  }
0x2f2: {  	s18 =	sor.u32 $0x80, s2;
	v18 =	vmul.f32 v10, v5;
	v19 =	vmul.f32 v10, v4;
	v10 =	vadd.f32 v8, v6;
	s0 =	sadd.s32 $0x1000, s0;
	s19 =	sadd.s32 s4, s5  }
0x2f3: {  	s28 =	sor.u32 $0x100, s2;
	v20 =	vmul.f32 v11, v5;
	v21 =	vmul.f32 v11, v4;
	s30 =	sadd.s32 s2, s0;
	v6 =	vld.idx.msk [tilespmem:v3+s19+$0x0 ss:$0x1], $0xffff;
	s4 =	sadd.s32 s4, s0;
	[tilespmem:v3+s26+$0x0 ss:$0x1] =	vst.idx.msk $0xffff, v9  }
0x2f4: {  	v11 =	vmul.f32 v13, v4;
	v13 =	vmul.f32 v13, v5;
	s2 =	sadd.s32 s2, s5;
	s31 =	sadd.s32 s18, s0;
	s0 =	sadd.s32 s28, s0;
	v8 =	vld.idx.msk [tilespmem:v3+s4+$0x0 ss:$0x1], $0xffff;
	[tilespmem:v3+s25+$0x0 ss:$0x1] =	vst.idx.msk $0xffff, v10  }
.Ltmp12:
0x2f5: {  	s18 =	sadd.s32 s18, s5;
	s5 =	sadd.s32 s28, s5;
	v22 =	vmul.f32 v14, v4;
	v14 =	vmul.f32 v14, v5;
	v9 =	vld.idx.msk [tilespmem:v3+s30+$0x0 ss:$0x1], $0xffff;
	[tilespmem:v3+s22+$0x0 ss:$0x1] =	vst.idx.msk $0xffff, v12;
	(pc) =	sbr.rel @p0 .LBB2_27-.Ltmp12, $4  }
0x2f6: {  	s26 =	smov.u32 s19;
	s28 =	smov.u32 s21;
	v23 =	vmul.f32 v17, v4;
	v17 =	vmul.f32 v17, v5;
	s25 =	smov.u32 s4;
	v12 =	vsub.f32 v11, v15;
	v10 =	vld.idx.msk [tilespmem:v3+s31+$0x0 ss:$0x1], $0xffff  }
0x2f7: {  	v24 =	vadd.f32 v16, v13;
	s21 =	smov.u32 s31;
	v15 =	vsub.f32 v22, v18;
	v11 =	vld.idx.msk [tilespmem:v3+s0+$0x0 ss:$0x1], $0xffff;
	[tilespmem:v3+s13+$0x0 ss:$0x1] =	vst.idx.msk $0xffff, v7;
	s13 =	smov.u32 s8;
	s8 =	smov.u32 s0  }
0x2f8: {  	v16 =	vadd.f32 v19, v14;
	s22 =	smov.u32 s23;
	s23 =	smov.u32 s5;
	v13 =	vld.idx.msk [tilespmem:v3+s2+$0x0 ss:$0x1], $0xffff;
	[tilespmem:v3+s24+$0x0 ss:$0x1] =	vst.idx.msk $0xffff, v12;
	v12 =	vsub.f32 v23, v20;
	s24 =	smov.u32 s2  }
0x2f9: {  	s20 =	sadd.s32 $0x200, s20;
	s10 =	sadd.s32 $0x1000, s10;
	v7 =	vadd.f32 v21, v17;
	v14 =	vld.idx.msk [tilespmem:v3+s18+$0x0 ss:$0x1], $0xffff;
	[tilespmem:v3+s17+$0x0 ss:$0x1] =	vst.idx.msk $0xffff, v24;
	s17 =	smov.u32 s30  }
0x2fa: {  	_ =	sdelay $0x3  }
0x2fb: {  	v17 =	vmul.f32 v6, v4;
	v18 =	vmul.f32 v8, v5;
	[tilespmem:v3+s16+$0x0 ss:$0x1] =	vst.idx.msk $0xffff, v15  }
0x2fc: {  	v46 =	vmul.f32 v6, v5;
	v47 =	vmul.f32 v8, v4;
	[tilespmem:v3+s22+$0x0 ss:$0x1] =	vst.idx.msk $0xffff, v12  }
0x2fd: {  	v48 =	vmul.f32 v9, v5;
	v49 =	vmul.f32 v9, v4;
	[tilespmem:v3+s28+$0x0 ss:$0x1] =	vst.idx.msk $0xffff, v16  }
0x2fe: {  	v51 =	vld.idx.msk [tilespmem:v3+s23+$0x0 ss:$0x1], $0xffff;
	v52 =	vmul.f32 v10, v5;
	v53 =	vmul.f32 v10, v4;
	[tilespmem:v3+s13+$0x0 ss:$0x1] =	vst.idx.msk $0xffff, v7  }
0x2ff: {  	v50 =	vsub.f32 v17, v18;
	v54 =	vmul.f32 v11, v5;
	v55 =	vmul.f32 v13, v4  }
0x300: {  	v6 =	vadd.f32 v47, v46;
	v56 =	vmul.f32 v11, v4;
	v57 =	vmul.f32 v13, v5  }
0x301: {  	[tilespmem:v3+s26+$0x0 ss:$0x1] =	vst.idx.msk $0xffff, v50;
	v58 =	vmul.f32 v14, v4;
	v59 =	vsub.f32 v55, v48  }
0x302: {  	s12 =	sadd.s32 $0x1, s12;
	v60 =	vmul.f32 v14, v5;
	[tilespmem:v3+s25+$0x0 ss:$0x1] =	vst.idx.msk $0xffff, v6;
	v9 =	vadd.f32 v49, v57  }
0x303: {  	p0 =	sne.s32 s12, $0x20;
	v61 =	vmul.f32 v51, v4;
	v6 =	vsub.f32 v58, v52;
	[tilespmem:v3+s24+$0x0 ss:$0x1] =	vst.idx.msk $0xffff, v59  }
.Ltmp13:
0x304: {  	v62 =	vmul.f32 v51, v5;
	v63 =	vadd.f32 v53, v60;
	[tilespmem:v3+s17+$0x0 ss:$0x1] =	vst.idx.msk $0xffff, v9;
	(pc) =	sbr.rel @p0 .LBB2_26-.Ltmp13, $4  }
0x305: {  	v4 =	vsub.f32 v61, v54;
	[tilespmem:v3+s18+$0x0 ss:$0x1] =	vst.idx.msk $0xffff, v6  }
0x306: {  	v5 =	vadd.f32 v56, v62;
	[tilespmem:v3+s21+$0x0 ss:$0x1] =	vst.idx.msk $0xffff, v63  }
0x307: {  	[tilespmem:v3+s23+$0x0 ss:$0x1] =	vst.idx.msk $0xffff, v4  }
0x308: {  	[tilespmem:v3+s8+$0x0 ss:$0x1] =	vst.idx.msk $0xffff, v5  }
0x309: {  	s11 =	simm.s32 $0x0  }
0x30a: {  	s0 =	rddreg [dreg:$0xc];
	s2 =	simm.s32 $0x800;
	s31 =	simm.s32 $0x2  }
0x30b: {  	[hbm4b:s0+s11] =	stream.linear.scatter [tilespmem:s2], [sflag:$0x4], $0x8000, $0x38;
	[tilespmem:$0x18800] =	vst v63  }
0x30c: {  	_ =	swait.ge [sflag:s31], $0x8000  }
0x30d: {  	[sflag:s31] =	ssyncset.done $0x0  }
0x30e: {  	s12 =	simm.s32 $0x0;
	[sflag:s31] =	ssyncadd.s32 $0xFFFF8000  }
.LBB2_30:
0x30f: {  	s0 =	sshll.u32 s12, $0x4  }
0x310: {  	s2 =	sshll.u32 s12, $0x5;
	s4 =	sshll.u32 s12, $0x9;
	s0 =	sand.u32 $0x70, s0  }
0x311: {  	s5 =	sshll.u32 s12, $0x7;
	s23 =	sand.u32 $0x6000, s11;
	s24 =	sand.u32 $0x200, s11;
	v3 =	vmov s0  }
0x312: {  	s2 =	sand.u32 $0x3FFFFF00, s2;
	s22 =	sand.u32 $0xFFFFF000, s4;
	s14 =	sand.u32 $0xC00, s5  }
0x313: {  	s4 =	sor.u32 $0x8800, s23;
	s2 =	sor.u32 s0, s2;
	s15 =	sshra.s32 s22, $0x2  }
0x314: {  	s25 =	sor.u32 $0x180, s24;
	v4 =	vld [tilespmem:s2+$0x400];
	s8 =	sadd.s32 s15, s4;
	s4 =	sadd.s32 s14, s4  }
0x315: {  	v5 =	vld [tilespmem:s2+$0x480];
	s4 =	sadd.s32 $0x1000, s4;
	s10 =	sadd.s32 s25, s8  }
0x316: {  	s5 =	sadd.s32 s25, s4;
	v6 =	vld.idx.msk [tilespmem:v3+s10+$0x0 ss:$0x1], $0xffff  }
0x317: {  	s17 =	sor.u32 $0x100, s24;
	s2 =	sadd.s32 s24, s4;
	v7 =	vld.idx.msk [tilespmem:v3+s5+$0x0 ss:$0x1], $0xffff  }
0x318: {  	s13 =	sadd.s32 s17, s4;
	v8 =	vld.idx.msk [tilespmem:v3+s2+$0x0 ss:$0x1], $0xffff  }
0x319: {  	s26 =	simm.s32 $0x1000;
	s16 =	sor.u32 $0x80, s24;
	s0 =	sadd.s32 s24, s8;
	v10 =	vld.idx.msk [tilespmem:v3+s13+$0x0 ss:$0x1], $0xffff  }
0x31a: {  	s18 =	simm.s32 $0x200;
	s28 =	sadd.s32 s16, s4;
	s4 =	sand.u32 $0x6000, s26;
	v11 =	vld.idx.msk [tilespmem:v3+s0+$0x0 ss:$0x1], $0xffff  }
0x31b: {  	s18 =	sand.u32 $0x200, s18;
	s4 =	sor.u32 $0x8800, s4;
	v9 =	vld.idx.msk [tilespmem:v3+s28+$0x0 ss:$0x1], $0xffff;
	v12 =	vmul.f32 v6, v4  }
0x31c: {  	s16 =	sadd.s32 s16, s8;
	s19 =	sadd.s32 s15, s4;
	s4 =	sadd.s32 s14, s4;
	v13 =	vmul.f32 v7, v5;
	v6 =	vmul.f32 v6, v5  }
0x31d: {  	s20 =	sor.u32 $0x80, s18;
	s22 =	sadd.s32 s17, s8;
	v14 =	vld.idx.msk [tilespmem:v3+s16+$0x0 ss:$0x1], $0xffff;
	s4 =	sadd.s32 $0x1000, s4;
	v7 =	vmul.f32 v7, v4;
	v16 =	vmul.f32 v8, v5  }
0x31e: {  	s30 =	sor.u32 $0x180, s18;
	v15 =	vld.idx.msk [tilespmem:v3+s22+$0x0 ss:$0x1], $0xffff;
	s21 =	sadd.s32 s20, s4;
	v17 =	vmul.f32 v8, v4;
	v19 =	vmul.f32 v10, v5  }
0x31f: {  	s26 =	sadd.s32 s30, s19;
	v20 =	vmul.f32 v10, v4;
	v10 =	vld.idx.msk [tilespmem:v3+s21+$0x0 ss:$0x1], $0xffff;
	v8 =	vsub.f32 v12, v13;
	v13 =	vmul.f32 v11, v4  }
0x320: {  	s25 =	sadd.s32 s30, s4;
	v18 =	vmul.f32 v9, v4;
	v21 =	vmul.f32 v11, v5;
	v7 =	vadd.f32 v7, v6;
	v6 =	vld.idx.msk [tilespmem:v3+s26+$0x0 ss:$0x1], $0xffff  }
0x321: {  	s31 =	sor.u32 $0x100, s18;
	s17 =	sadd.s32 s18, s4;
	v12 =	vmul.f32 v9, v5;
	[tilespmem:v3+s10+$0x0 ss:$0x1] =	vst.idx.msk $0xffff, v8;
	v8 =	vld.idx.msk [tilespmem:v3+s25+$0x0 ss:$0x1], $0xffff;
	v16 =	vsub.f32 v13, v16  }
0x322: {  	s8 =	sadd.s32 s31, s4;
	v9 =	vld.idx.msk [tilespmem:v3+s17+$0x0 ss:$0x1], $0xffff;
	[tilespmem:v3+s5+$0x0 ss:$0x1] =	vst.idx.msk $0xffff, v7;
	v7 =	vmul.f32 v14, v4;
	v14 =	vmul.f32 v14, v5  }
0x323: {  	s24 =	sadd.s32 s18, s19;
	v22 =	vmul.f32 v15, v4;
	v23 =	vmul.f32 v15, v5;
	v11 =	vld.idx.msk [tilespmem:v3+s8+$0x0 ss:$0x1], $0xffff;
	v17 =	vadd.f32 v17, v21  }
0x324: {  	s29 =	simm.s32 $0x4;
	s18 =	sadd.s32 s20, s19;
	v13 =	vld.idx.msk [tilespmem:v3+s24+$0x0 ss:$0x1], $0xffff;
	[tilespmem:v3+s0+$0x0 ss:$0x1] =	vst.idx.msk $0xffff, v16;
	v15 =	vsub.f32 v7, v12;
	v16 =	vadd.f32 v18, v14  }
0x325: {  	s23 =	sadd.s32 s31, s19;
	s20 =	simm.s32 $0x400;
	s10 =	simm.s32 $0x2000;
	v12 =	vsub.f32 v22, v19;
	v14 =	vld.idx.msk [tilespmem:v3+s18+$0x0 ss:$0x1], $0xffff;
	[tilespmem:v3+s2+$0x0 ss:$0x1] =	vst.idx.msk $0xffff, v17;
	v7 =	vadd.f32 v20, v23  }
.LBB2_31:
0x326: {  	s0 =	sand.u32 $0x6000, s10;
	s2 =	sand.u32 $0x200, s20;
	v17 =	vld.idx.msk [tilespmem:v3+s23+$0x0 ss:$0x1], $0xffff;
	v18 =	vmul.f32 v6, v4;
	v19 =	vmul.f32 v8, v5;
	[tilespmem:v3+s16+$0x0 ss:$0x1] =	vst.idx.msk $0xffff, v15;
	s16 =	smov.u32 s18  }
0x327: {  	s29 =	sadd.s32 $0x4, s29;
	v6 =	vmul.f32 v6, v5;
	v8 =	vmul.f32 v8, v4;
	s0 =	sor.u32 $0x8800, s0;
	s4 =	sor.u32 $0x180, s2;
	[tilespmem:v3+s28+$0x0 ss:$0x1] =	vst.idx.msk $0xffff, v16  }
0x328: {  	v15 =	vmul.f32 v9, v5;
	p0 =	slt.u32 s29, $0x1C;
	v16 =	vmul.f32 v9, v4;
	s5 =	sadd.s32 s15, s0;
	s0 =	sadd.s32 s14, s0;
	v9 =	vsub.f32 v18, v19  }
0x329: {  	s18 =	sor.u32 $0x80, s2;
	v18 =	vmul.f32 v10, v5;
	v19 =	vmul.f32 v10, v4;
	v10 =	vadd.f32 v8, v6;
	s0 =	sadd.s32 $0x1000, s0;
	s19 =	sadd.s32 s4, s5  }
0x32a: {  	s28 =	sor.u32 $0x100, s2;
	v20 =	vmul.f32 v11, v5;
	v21 =	vmul.f32 v11, v4;
	s30 =	sadd.s32 s2, s0;
	v6 =	vld.idx.msk [tilespmem:v3+s19+$0x0 ss:$0x1], $0xffff;
	s4 =	sadd.s32 s4, s0;
	[tilespmem:v3+s26+$0x0 ss:$0x1] =	vst.idx.msk $0xffff, v9  }
0x32b: {  	v11 =	vmul.f32 v13, v4;
	v13 =	vmul.f32 v13, v5;
	s2 =	sadd.s32 s2, s5;
	s31 =	sadd.s32 s18, s0;
	s0 =	sadd.s32 s28, s0;
	v8 =	vld.idx.msk [tilespmem:v3+s4+$0x0 ss:$0x1], $0xffff;
	[tilespmem:v3+s25+$0x0 ss:$0x1] =	vst.idx.msk $0xffff, v10  }
.Ltmp14:
0x32c: {  	s18 =	sadd.s32 s18, s5;
	s5 =	sadd.s32 s28, s5;
	v22 =	vmul.f32 v14, v4;
	v14 =	vmul.f32 v14, v5;
	v9 =	vld.idx.msk [tilespmem:v3+s30+$0x0 ss:$0x1], $0xffff;
	[tilespmem:v3+s22+$0x0 ss:$0x1] =	vst.idx.msk $0xffff, v12;
	(pc) =	sbr.rel @p0 .LBB2_31-.Ltmp14, $4  }
0x32d: {  	s26 =	smov.u32 s19;
	s28 =	smov.u32 s21;
	v23 =	vmul.f32 v17, v4;
	v17 =	vmul.f32 v17, v5;
	s25 =	smov.u32 s4;
	v12 =	vsub.f32 v11, v15;
	v10 =	vld.idx.msk [tilespmem:v3+s31+$0x0 ss:$0x1], $0xffff  }
0x32e: {  	v24 =	vadd.f32 v16, v13;
	s21 =	smov.u32 s31;
	v15 =	vsub.f32 v22, v18;
	v11 =	vld.idx.msk [tilespmem:v3+s0+$0x0 ss:$0x1], $0xffff;
	[tilespmem:v3+s13+$0x0 ss:$0x1] =	vst.idx.msk $0xffff, v7;
	s13 =	smov.u32 s8;
	s8 =	smov.u32 s0  }
0x32f: {  	v16 =	vadd.f32 v19, v14;
	s22 =	smov.u32 s23;
	s23 =	smov.u32 s5;
	v13 =	vld.idx.msk [tilespmem:v3+s2+$0x0 ss:$0x1], $0xffff;
	[tilespmem:v3+s24+$0x0 ss:$0x1] =	vst.idx.msk $0xffff, v12;
	v12 =	vsub.f32 v23, v20;
	s24 =	smov.u32 s2  }
0x330: {  	s20 =	sadd.s32 $0x200, s20;
	s10 =	sadd.s32 $0x1000, s10;
	v7 =	vadd.f32 v21, v17;
	v14 =	vld.idx.msk [tilespmem:v3+s18+$0x0 ss:$0x1], $0xffff;
	[tilespmem:v3+s17+$0x0 ss:$0x1] =	vst.idx.msk $0xffff, v24;
	s17 =	smov.u32 s30  }
0x331: {  	_ =	sdelay $0x3  }
0x332: {  	v17 =	vmul.f32 v6, v4;
	v18 =	vmul.f32 v8, v5;
	[tilespmem:v3+s16+$0x0 ss:$0x1] =	vst.idx.msk $0xffff, v15  }
0x333: {  	v46 =	vmul.f32 v6, v5;
	v47 =	vmul.f32 v8, v4;
	[tilespmem:v3+s22+$0x0 ss:$0x1] =	vst.idx.msk $0xffff, v12  }
0x334: {  	v48 =	vmul.f32 v9, v5;
	v49 =	vmul.f32 v9, v4;
	[tilespmem:v3+s28+$0x0 ss:$0x1] =	vst.idx.msk $0xffff, v16  }
0x335: {  	v51 =	vld.idx.msk [tilespmem:v3+s23+$0x0 ss:$0x1], $0xffff;
	v52 =	vmul.f32 v10, v5;
	v53 =	vmul.f32 v10, v4;
	[tilespmem:v3+s13+$0x0 ss:$0x1] =	vst.idx.msk $0xffff, v7  }
0x336: {  	v50 =	vsub.f32 v17, v18;
	v54 =	vmul.f32 v11, v5;
	v55 =	vmul.f32 v13, v4  }
0x337: {  	v6 =	vadd.f32 v47, v46;
	v56 =	vmul.f32 v11, v4;
	v57 =	vmul.f32 v13, v5  }
0x338: {  	[tilespmem:v3+s26+$0x0 ss:$0x1] =	vst.idx.msk $0xffff, v50;
	v58 =	vmul.f32 v14, v4;
	v59 =	vsub.f32 v55, v48  }
0x339: {  	s12 =	sadd.s32 $0x1, s12;
	v60 =	vmul.f32 v14, v5;
	[tilespmem:v3+s25+$0x0 ss:$0x1] =	vst.idx.msk $0xffff, v6;
	v9 =	vadd.f32 v49, v57  }
0x33a: {  	p0 =	sne.s32 s12, $0x20;
	v61 =	vmul.f32 v51, v4;
	v6 =	vsub.f32 v58, v52;
	[tilespmem:v3+s24+$0x0 ss:$0x1] =	vst.idx.msk $0xffff, v59  }
.Ltmp15:
0x33b: {  	v62 =	vmul.f32 v51, v5;
	v63 =	vadd.f32 v53, v60;
	[tilespmem:v3+s17+$0x0 ss:$0x1] =	vst.idx.msk $0xffff, v9;
	(pc) =	sbr.rel @p0 .LBB2_30-.Ltmp15, $4  }
0x33c: {  	v4 =	vsub.f32 v61, v54;
	[tilespmem:v3+s18+$0x0 ss:$0x1] =	vst.idx.msk $0xffff, v6  }
0x33d: {  	v5 =	vadd.f32 v56, v62;
	[tilespmem:v3+s21+$0x0 ss:$0x1] =	vst.idx.msk $0xffff, v63  }
0x33e: {  	[tilespmem:v3+s23+$0x0 ss:$0x1] =	vst.idx.msk $0xffff, v4  }
0x33f: {  	[tilespmem:v3+s8+$0x0 ss:$0x1] =	vst.idx.msk $0xffff, v5  }
0x340: {  	s0 =	rddreg [dreg:$0xd];
	s5 =	simm.s32 $0x8800;
	s29 =	simm.s32 $0x6  }
0x341: {  	[hbm4b:s0+s3] =	stream.linear.scatter [tilespmem:s5], [sflag:$0x5], $0x8000, $0x38;
	[tilespmem:$0x18800] =	vst v63  }
0x342: {  	_ =	swait.ge [sflag:s29], $0x8000  }
0x343: {  	[sflag:s29] =	ssyncset.done $0x0  }
0x344: {  	s30 =	simm.s32 $0x4;
	[sflag:s29] =	ssyncadd.s32 $0xFFFF8000  }
0x345: {  	_ =	swait.ge [sflag:s30], $0x8000  }
0x346: {  	[sflag:s30] =	ssyncset.done $0x0  }
0x347: {  	s2 =	simm.s32 $0x5;
	[sflag:s30] =	ssyncadd.s32 $0xFFFF8000  }
0x348: {  	_ =	swait.ge [sflag:s2], $0x8000  }
0x349: {  	s4 =	rddreg [dreg:$0xf]  }
0x34a: {  	s31 =	rddreg [dreg:$0xe];
	s4 =	sadd.s32 $0x1, s4  }
0x34b: {  	p0 =	sne.s32 s4, s31  }
.Ltmp16:
0x34c: {  	_ = 	snop;
	(pc) =	sbr.rel @p0 .LBB2_1-.Ltmp16, $3  }
0x34d: {  	_ =	sdelay $0x1  }
0x34e: {  	[sflag:s2] =	ssyncset.done $0x0  }
0x34f: {  	[sflag:s2] =	ssyncadd.s32 $0xFFFF8000  }
0x350: {  	_ =	sfence.sel $0x180000  }
0x351: {  	[bflag:$0x0] =	sbarrier.arrive $0xFFFF  }
0x352: {  	_ =	strace $0x90000047  }
0x353: {  	s0 =	stileid.u32;
	[bflag:$0x2] =	sbarrier.arrive $0xFFFF  }
0x354: {  	p0 =	sne.s32 s0, $0x0;
	s0 =	rddreg [dreg:$0x3]  }
0x355: {  	s0 =	sadd.s32 @!p0 $0x100000, s0  }
0x356: {  	[sflag:s0] =	ssyncadd.tile.s32 @!p0 $0x1;
	_ =	shalt  }
.Lfunc_end2:
_tile_overlayer_lowered:
.L_overlay_start_2:
0x357: {  	(tag) =	ssettag $0x2  }
0x358: {  	s0 =	rddreg [dreg:$0x0];
	s2 =	stileid.u32  }
0x359: {  	s1 =	rddreg [dreg:$0x1];
	p0 =	sne.s32 s2, $0x0  }
0x35a: {  	s3 =	rddreg [dreg:$0x2];
	[bflag:$0x3] =	sbarrier.arrive $0xFFFF;
	s2 =	simm.s32 @!p0 $0x1C07  }
0x35b: {  	[timem:s3], [sflag:s2] =	dma.local @!p0 [hbm:s0], s1  }
0x35c: {  	s0 =	simm.s32 @!p0 $0x7  }
0x35d: {  	_ =	swait.ge @!p0 [sflag:s0], s1  }
0x35e: {  	s1 =	ssub.s32 @!p0 $0x0, s1;
	[sflag:s0] =	ssyncset.done @!p0 $0x0  }
0x35f: {  	[sflag:s0] =	ssyncadd.s32 @!p0 s1  }
0x360: {  	[bflag:$0x3] =	sbarrier.arrive $0xFFFF  }
0x361: {  	_ =	shalt  }

</sc_bundles>
